<compile_context>
chip_gen: v7x
topology: tpu7x:2x2x1
jax: 0.10.2.dev20260603
libtpu: 0.0.44.dev20260713+nightly
codegen_flags: <defaults>
</compile_context>

<pallas_src>
import functools

import jax
import jax.numpy as jnp
from jax import lax
from jax.experimental import pallas as pl
from jax.experimental.pallas import tpu as pltpu
from jax.experimental.pallas import tpu_sc as plsc

B, L, K, D = 4, 4096, 16, 64
BQ = 128
NQ = L // BQ
BIG = 0x7FFFFFFF

NC, NS = 2, 16
NW = NC * NS
CH = 128


def _make_select_body(b0):
    def body(q_ref, all_ref, gidx_ref, dist_ref):
        q = q_ref[0]
        allv = all_ref[0]
        d = jnp.abs(q - allv)
        j = lax.broadcasted_iota(jnp.int32, (BQ, L), 1)
        keys = jnp.bitwise_or(jnp.left_shift(d, 12), j).astype(jnp.float32)
        big = jnp.float32(BIG)
        f = jnp.minimum(keys[:, :L // 2], keys[:, L // 2:])
        mx = jnp.maximum(keys[:, :L // 2], keys[:, L // 2:])
        m = jnp.min(f, axis=1, keepdims=True)
        mins = [m]
        for _ in range(K - 1):
            repl = jnp.where(mx > m, mx, big)
            f = jnp.where(f == m, repl, f)
            m = jnp.min(f, axis=1, keepdims=True)
            mins.append(m)
        packed = jnp.concatenate(mins, axis=1).astype(jnp.int32)
        base = (pl.program_id(0) // NQ + b0) * L
        gidx_ref[0] = jnp.bitwise_and(packed, 4095) + base
        dist_ref[0] = jnp.right_shift(packed, 12).astype(jnp.float32)
    return body


def _select(vals, b0, nb):
    q = vals.reshape(nb * NQ, BQ, 1)
    allv = vals.reshape(nb, 1, L)
    return pl.pallas_call(
        _make_select_body(b0),
        grid=(nb * NQ,),
        in_specs=[
            pl.BlockSpec((1, BQ, 1), lambda g: (g, 0, 0)),
            pl.BlockSpec((1, 1, L), lambda g: (g // NQ, 0, 0)),
        ],
        out_specs=[
            pl.BlockSpec((1, BQ, K), lambda g: (g, 0, 0)),
            pl.BlockSpec((1, BQ, K), lambda g: (g, 0, 0)),
        ],
        out_shape=[
            jax.ShapeDtypeStruct((nb * NQ, BQ, K), jnp.int32),
            jax.ShapeDtypeStruct((nb * NQ, BQ, K), jnp.float32),
        ],
        compiler_params=pltpu.CompilerParams(
            dimension_semantics=("parallel",)),
    )(q, allv)


def _make_gather_body(rows_per_w, nch):
    def body(table_hbm, idx_hbm, out_hbm, idx_v, rows0, rows1, shared,
             sem0, sem1):
        wid = lax.axis_index("s") * NC + lax.axis_index("c")
        base = wid * rows_per_w
        @pl.when(lax.axis_index("s") == 0)
        def _():
            pltpu.sync_copy(table_hbm, shared)

        pltpu.sync_copy(idx_hbm.at[pl.ds(base, rows_per_w)], idx_v)
        plsc.subcore_barrier()

        pltpu.async_copy(shared.at[idx_v.at[pl.ds(0, CH)]], rows0, sem0)

        @pl.loop(0, nch // 2)
        def _(jj):
            j = jj * 2
            pltpu.make_async_copy(
                shared.at[idx_v.at[pl.ds(j * CH, CH)]], rows0, sem0).wait()
            pltpu.async_copy(
                shared.at[idx_v.at[pl.ds((j + 1) * CH, CH)]], rows1, sem1)
            pltpu.sync_copy(rows0, out_hbm.at[pl.ds(base + j * CH, CH)])
            pltpu.make_async_copy(
                shared.at[idx_v.at[pl.ds((j + 1) * CH, CH)]],
                rows1, sem1).wait()

            @pl.when(j + 2 < nch)
            def _():
                pltpu.async_copy(
                    shared.at[idx_v.at[pl.ds((j + 2) * CH, CH)]],
                    rows0, sem0)

            pltpu.sync_copy(rows1, out_hbm.at[pl.ds(base + (j + 1) * CH, CH)])
    return body


def _gather(table, gidx, nrows):
    rows_per_w = nrows // NW
    nch = rows_per_w // CH
    sc_gather = functools.partial(
        pl.kernel,
        mesh=plsc.VectorSubcoreMesh(core_axis_name="c", subcore_axis_name="s"),
        out_type=jax.ShapeDtypeStruct((nrows, D), jnp.float32),
        scratch_types=[
            pltpu.VMEM((rows_per_w,), jnp.int32),
            pltpu.VMEM((CH, D), jnp.float32),
            pltpu.VMEM((CH, D), jnp.float32),
            pltpu.VMEM_SHARED((B * L, D), jnp.float32),
            pltpu.SemaphoreType.DMA,
            pltpu.SemaphoreType.DMA,
        ],
        compiler_params=pltpu.CompilerParams(use_tc_tiling_on_sc=False),
    )(_make_gather_body(rows_per_w, nch))
    return sc_gather(table, gidx.reshape(nrows))


def kernel(index, attr):
    vals = index[..., 0].astype(jnp.int32)
    gidx, dist = _select(vals, 0, B)
    rows = _gather(attr.reshape(B * L, D), gidx, B * L * K)
    index_distance = dist.reshape(B, L, K, 1)
    neighbors_attr = rows.reshape(B, L, K, D)
    return (index_distance, neighbors_attr)

# --- scband reference (transcript-rebuilt; emitter-appended) ---
"""Pipeline reference for scband-local-neighborhood-2456721293910 (READ-ONLY COPY).

The authoritative reference and input builder live on the scoring server;
editing this copy changes nothing except your own understanding.
"""

import jax, jax.numpy as jnp
import numpy as np

KMAX = 16

def setup_inputs(seed: int = 0) -> dict:
    key = jax.random.key(seed)
    k1, k2 = jax.random.split(key)
    # inputs = [first_index, attribute]  (coordinates=['index_distance'], self_neighborhood=True)
    index = jax.random.randint(k1, (4, 4096, 1), 0, 4096)
    attr = jax.random.normal(k2, (4, 4096, 64), dtype=jnp.float32)
    return {"index": index, "attr": attr}

def reference(index, attr):
    # first_format = ['index'], second_format = ['index'], self_neighborhood=True
    first_index = index.astype(jnp.float32)          # [B, L, 1]
    first_center = first_index                        # ndims = 1
    second_center = first_index
    # distance(first_center, second_center, squared=True, ndims=1)
    distance_square = (first_center[..., 0][:, :, None] - second_center[..., 0][:, None, :]) ** 2  # [B, L, L]
    # neighbors = argsort(distance_square)[:, :, :Kmax]
    neighbors = jnp.argsort(distance_square, axis=-1)[:, :, :KMAX]  # [B, L, K]
    # per-batch gather of second attributes: attribute[i][neighbors[i], :]
    gather = jax.vmap(lambda a, n: jnp.take(a, n, axis=0))
    neighbors_attr = gather(attr, neighbors)          # [B, L, K, 64]
    # 'index_distance' coordinate: |first_index - gathered second_index|
    neighbors_index = gather(first_index, neighbors)  # [B, L, K, 1]
    index_distance = jnp.abs(first_index[:, :, None, :] - neighbors_index)  # [B, L, K, 1]
    # output = neighbor_coordinates + neighbors_attributes
    return (index_distance, neighbors_attr)

if __name__ == "__main__":
    import jax
    _d = setup_inputs()
    print(jax.jit(kernel)(*tuple(_d.values())))

</pallas_src>

<mosaic_0001>
#map = affine_map<(d0, d1) -> (0, 0)>
#map1 = affine_map<(d0, d1) -> (0)>
module attributes {stable_mosaic.version = 14 : i64} {
  func.func @body(%arg0: i32, %arg1: i32, %arg2: memref<16384x64xf32, #tpu.memory_space<hbm>>, %arg3: memref<262144xi32, #tpu.memory_space<hbm>>, %arg4: memref<262144x64xf32, #tpu.memory_space<hbm>>, %arg5: memref<8192xi32, #tpu.memory_space<vmem>>, %arg6: memref<128x64xf32, #tpu.memory_space<vmem>>, %arg7: memref<128x64xf32, #tpu.memory_space<vmem>>, %arg8: memref<16384x64xf32, #tpu.memory_space<vmem_shared>>, %arg9: memref<!tpu.dma_semaphore, #tpu.memory_space<semaphore_mem>>, %arg10: memref<!tpu.dma_semaphore, #tpu.memory_space<semaphore_mem>>) attributes {dimension_semantics = [#tpu.dimension_semantics<core_parallel>, #tpu.dimension_semantics<subcore_parallel>], iteration_bounds = array<i64: 2, 16>, scalar_prefetch = 0 : i64, scratch_operands = 6 : i64, tpu.core_type = #tpu.core_type<sc_vector_subcore>, window_params = [{transform_indices = #map}, {transform_indices = #map1}, {transform_indices = #map}]} {
    %mul3A = arith.constant 2 : i32
    %mul3A_0 = arith.muli %arg1, %mul3A : i32
    %add3A = arith.addi %mul3A_0, %arg0 : i32
    %mul3A_1 = arith.constant 8192 : i32
    %mul3A_2 = arith.muli %add3A, %mul3A_1 : i32
    %eq3A = arith.constant 0 : i32
    %eq3A_3 = arith.cmpi eq, %arg1, %eq3A : i32
    %convert_element_type3A = arith.extui %eq3A_3 : i1 to i32
    %cond3A = arith.constant 0 : i32
    %cond3A_4 = arith.cmpi ne, %convert_element_type3A, %cond3A : i32
    scf.if %cond3A_4 {
      "tpu.region"() ({
        %run_scoped3A = tpu.sem_alloc : memref<!tpu.dma_semaphore, #tpu.memory_space<semaphore_mem>>
        tpu.enqueue_dma source(%arg2 : memref<16384x64xf32, #tpu.memory_space<hbm>>) target(%arg8 : memref<16384x64xf32, #tpu.memory_space<vmem_shared>>) target_semaphore(%run_scoped3A : memref<!tpu.dma_semaphore, #tpu.memory_space<semaphore_mem>>)
        tpu.wait_dma2 semaphore(%run_scoped3A : memref<!tpu.dma_semaphore, #tpu.memory_space<semaphore_mem>>) src(%arg2 : memref<16384x64xf32, #tpu.memory_space<hbm>>) dst(%arg8 : memref<16384x64xf32, #tpu.memory_space<vmem_shared>>)
        tpu.yield
      }) : () -> ()
    } else {
    }
    "tpu.region"() ({
      %run_scoped3A = tpu.sem_alloc : memref<!tpu.dma_semaphore, #tpu.memory_space<semaphore_mem>>
      %dma_start3A_13 = tpu.memref_slice %arg3[%mul3A_2] : memref<262144xi32, #tpu.memory_space<hbm>> -> memref<8192xi32, #tpu.memory_space<hbm>>
      %dma_start3A_14 = tpu.memref_slice %arg3[%mul3A_2] : memref<262144xi32, #tpu.memory_space<hbm>> -> memref<8192xi32, #tpu.memory_space<hbm>>
      tpu.enqueue_dma source(%dma_start3A_14 : memref<8192xi32, #tpu.memory_space<hbm>>) target(%arg5 : memref<8192xi32, #tpu.memory_space<vmem>>) target_semaphore(%run_scoped3A : memref<!tpu.dma_semaphore, #tpu.memory_space<semaphore_mem>>)
      %dma_wait3A = tpu.memref_slice %arg3[%mul3A_2] : memref<262144xi32, #tpu.memory_space<hbm>> -> memref<8192xi32, #tpu.memory_space<hbm>>
      %dma_wait3A_15 = tpu.memref_slice %arg3[%mul3A_2] : memref<262144xi32, #tpu.memory_space<hbm>> -> memref<8192xi32, #tpu.memory_space<hbm>>
      tpu.wait_dma2 semaphore(%run_scoped3A : memref<!tpu.dma_semaphore, #tpu.memory_space<semaphore_mem>>) src(%dma_wait3A_15 : memref<8192xi32, #tpu.memory_space<hbm>>) dst(%arg5 : memref<8192xi32, #tpu.memory_space<vmem>>)
      tpu.yield
    }) : () -> ()
    %barrier3A = arith.constant 0 : index
    tpu.barrier barrier_id(%barrier3A)
    %dma_start3A = arith.constant 0 : i32
    %dma_start3A_5 = tpu.memref_slice %arg5[%dma_start3A] : memref<8192xi32, #tpu.memory_space<vmem>> -> memref<128xi32, #tpu.memory_space<vmem>>
    %dma_start3A_6 = arith.constant 0 : i32
    %dma_start3A_7 = arith.constant 0 : i32
    %dma_start3A_8 = tpu.memref_slice %arg8[%dma_start3A_6, %dma_start3A_7] : memref<16384x64xf32, #tpu.memory_space<vmem_shared>> -> memref<16384x64xf32, #tpu.memory_space<vmem_shared>>
    tpu.enqueue_indirect_dma source(%dma_start3A_8 : memref<16384x64xf32, #tpu.memory_space<vmem_shared>>) target(%arg6 : memref<128x64xf32, #tpu.memory_space<vmem>>) offsets(%dma_start3A_5 : memref<128xi32, #tpu.memory_space<vmem>>) semaphore(%arg9 : memref<!tpu.dma_semaphore, #tpu.memory_space<semaphore_mem>>)
    %scan3A = arith.constant 0 : i32
    %scan3A_9 = arith.constant 32 : i32
    %scan3A_10 = arith.addi %scan3A, %scan3A_9 : i32
    %scan3A_11 = arith.constant 1 : i32
    scf.for %scan3A_13 = %scan3A to %scan3A_10 step %scan3A_11  : i32 {
      %mul3A_14 = arith.constant 1 : i32
      %mul3A_15 = arith.muli %scan3A_13, %mul3A_14 : i32
      %add3A_16 = arith.constant 0 : i32
      %add3A_17 = arith.addi %add3A_16, %mul3A_15 : i32
      %mul3A_18 = arith.constant 2 : i32
      %mul3A_19 = arith.muli %add3A_17, %mul3A_18 : i32
      %mul3A_20 = arith.constant 128 : i32
      %mul3A_21 = arith.muli %mul3A_19, %mul3A_20 : i32
      %dma_wait3A = tpu.memref_slice %arg5[%mul3A_21] : memref<8192xi32, #tpu.memory_space<vmem>> -> memref<128xi32, #tpu.memory_space<vmem>>
      %dma_wait3A_22 = arith.constant 0 : i32
      %dma_wait3A_23 = arith.constant 0 : i32
      %dma_wait3A_24 = tpu.memref_slice %arg8[%dma_wait3A_22, %dma_wait3A_23] : memref<16384x64xf32, #tpu.memory_space<vmem_shared>> -> memref<16384x64xf32, #tpu.memory_space<vmem_shared>>
      tpu.wait_indirect_dma semaphore(%arg9 : memref<!tpu.dma_semaphore, #tpu.memory_space<semaphore_mem>>) src(%dma_wait3A_24 : memref<16384x64xf32, #tpu.memory_space<vmem_shared>>) dst(%arg6 : memref<128x64xf32, #tpu.memory_space<vmem>>)
      %add3A_25 = arith.constant 1 : i32
      %add3A_26 = arith.addi %mul3A_19, %add3A_25 : i32
      %mul3A_27 = arith.constant 128 : i32
      %mul3A_28 = arith.muli %add3A_26, %mul3A_27 : i32
      %dma_start3A_29 = tpu.memref_slice %arg5[%mul3A_28] : memref<8192xi32, #tpu.memory_space<vmem>> -> memref<128xi32, #tpu.memory_space<vmem>>
      %dma_start3A_30 = arith.constant 0 : i32
      %dma_start3A_31 = arith.constant 0 : i32
      %dma_start3A_32 = tpu.memref_slice %arg8[%dma_start3A_30, %dma_start3A_31] : memref<16384x64xf32, #tpu.memory_space<vmem_shared>> -> memref<16384x64xf32, #tpu.memory_space<vmem_shared>>
      tpu.enqueue_indirect_dma source(%dma_start3A_32 : memref<16384x64xf32, #tpu.memory_space<vmem_shared>>) target(%arg7 : memref<128x64xf32, #tpu.memory_space<vmem>>) offsets(%dma_start3A_29 : memref<128xi32, #tpu.memory_space<vmem>>) semaphore(%arg10 : memref<!tpu.dma_semaphore, #tpu.memory_space<semaphore_mem>>)
      %mul3A_33 = arith.constant 128 : i32
      %mul3A_34 = arith.muli %mul3A_19, %mul3A_33 : i32
      %add3A_35 = arith.addi %mul3A_2, %mul3A_34 : i32
      "tpu.region"() ({
        %run_scoped3A = tpu.sem_alloc : memref<!tpu.dma_semaphore, #tpu.memory_space<semaphore_mem>>
        %dma_start3A_55 = arith.constant 0 : i32
        %dma_start3A_56 = tpu.memref_slice %arg4[%add3A_35, %dma_start3A_55] : memref<262144x64xf32, #tpu.memory_space<hbm>> -> memref<128x64xf32, #tpu.memory_space<hbm>>
        %dma_start3A_57 = arith.constant 0 : i32
        %dma_start3A_58 = tpu.memref_slice %arg4[%add3A_35, %dma_start3A_57] : memref<262144x64xf32, #tpu.memory_space<hbm>> -> memref<128x64xf32, #tpu.memory_space<hbm>>
        tpu.enqueue_dma source(%arg6 : memref<128x64xf32, #tpu.memory_space<vmem>>) target(%dma_start3A_58 : memref<128x64xf32, #tpu.memory_space<hbm>>) target_semaphore(%run_scoped3A : memref<!tpu.dma_semaphore, #tpu.memory_space<semaphore_mem>>)
        %dma_wait3A_59 = arith.constant 0 : i32
        %dma_wait3A_60 = tpu.memref_slice %arg4[%add3A_35, %dma_wait3A_59] : memref<262144x64xf32, #tpu.memory_space<hbm>> -> memref<128x64xf32, #tpu.memory_space<hbm>>
        %dma_wait3A_61 = arith.constant 0 : i32
        %dma_wait3A_62 = tpu.memref_slice %arg4[%add3A_35, %dma_wait3A_61] : memref<262144x64xf32, #tpu.memory_space<hbm>> -> memref<128x64xf32, #tpu.memory_space<hbm>>
        tpu.wait_dma2 semaphore(%run_scoped3A : memref<!tpu.dma_semaphore, #tpu.memory_space<semaphore_mem>>) src(%arg6 : memref<128x64xf32, #tpu.memory_space<vmem>>) dst(%dma_wait3A_62 : memref<128x64xf32, #tpu.memory_space<hbm>>)
        tpu.yield
      }) : () -> ()
      %add3A_36 = arith.constant 1 : i32
      %add3A_37 = arith.addi %mul3A_19, %add3A_36 : i32
      %mul3A_38 = arith.constant 128 : i32
      %mul3A_39 = arith.muli %add3A_37, %mul3A_38 : i32
      %dma_wait3A_40 = tpu.memref_slice %arg5[%mul3A_39] : memref<8192xi32, #tpu.memory_space<vmem>> -> memref<128xi32, #tpu.memory_space<vmem>>
      %dma_wait3A_41 = arith.constant 0 : i32
      %dma_wait3A_42 = arith.constant 0 : i32
      %dma_wait3A_43 = tpu.memref_slice %arg8[%dma_wait3A_41, %dma_wait3A_42] : memref<16384x64xf32, #tpu.memory_space<vmem_shared>> -> memref<16384x64xf32, #tpu.memory_space<vmem_shared>>
      tpu.wait_indirect_dma semaphore(%arg10 : memref<!tpu.dma_semaphore, #tpu.memory_space<semaphore_mem>>) src(%dma_wait3A_43 : memref<16384x64xf32, #tpu.memory_space<vmem_shared>>) dst(%arg7 : memref<128x64xf32, #tpu.memory_space<vmem>>)
      %add3A_44 = arith.constant 2 : i32
      %add3A_45 = arith.addi %mul3A_19, %add3A_44 : i32
      %lt3A = arith.constant 64 : i32
      %lt3A_46 = arith.cmpi slt, %add3A_45, %lt3A : i32
      %convert_element_type3A_47 = arith.extui %lt3A_46 : i1 to i32
      %cond3A_48 = arith.constant 0 : i32
      %cond3A_49 = arith.cmpi ne, %convert_element_type3A_47, %cond3A_48 : i32
      scf.if %cond3A_49 {
        %add3A_55 = arith.constant 2 : i32
        %add3A_56 = arith.addi %mul3A_19, %add3A_55 : i32
        %mul3A_57 = arith.constant 128 : i32
        %mul3A_58 = arith.muli %add3A_56, %mul3A_57 : i32
        %dma_start3A_59 = tpu.memref_slice %arg5[%mul3A_58] : memref<8192xi32, #tpu.memory_space<vmem>> -> memref<128xi32, #tpu.memory_space<vmem>>
        %dma_start3A_60 = arith.constant 0 : i32
        %dma_start3A_61 = arith.constant 0 : i32
        %dma_start3A_62 = tpu.memref_slice %arg8[%dma_start3A_60, %dma_start3A_61] : memref<16384x64xf32, #tpu.memory_space<vmem_shared>> -> memref<16384x64xf32, #tpu.memory_space<vmem_shared>>
        tpu.enqueue_indirect_dma source(%dma_start3A_62 : memref<16384x64xf32, #tpu.memory_space<vmem_shared>>) target(%arg6 : memref<128x64xf32, #tpu.memory_space<vmem>>) offsets(%dma_start3A_59 : memref<128xi32, #tpu.memory_space<vmem>>) semaphore(%arg9 : memref<!tpu.dma_semaphore, #tpu.memory_space<semaphore_mem>>)
      } else {
      }
      %add3A_50 = arith.constant 1 : i32
      %add3A_51 = arith.addi %mul3A_19, %add3A_50 : i32
      %mul3A_52 = arith.constant 128 : i32
      %mul3A_53 = arith.muli %add3A_51, %mul3A_52 : i32
      %add3A_54 = arith.addi %mul3A_2, %mul3A_53 : i32
      "tpu.region"() ({
        %run_scoped3A = tpu.sem_alloc : memref<!tpu.dma_semaphore, #tpu.memory_space<semaphore_mem>>
        %dma_start3A_55 = arith.constant 0 : i32
        %dma_start3A_56 = tpu.memref_slice %arg4[%add3A_54, %dma_start3A_55] : memref<262144x64xf32, #tpu.memory_space<hbm>> -> memref<128x64xf32, #tpu.memory_space<hbm>>
        %dma_start3A_57 = arith.constant 0 : i32
        %dma_start3A_58 = tpu.memref_slice %arg4[%add3A_54, %dma_start3A_57] : memref<262144x64xf32, #tpu.memory_space<hbm>> -> memref<128x64xf32, #tpu.memory_space<hbm>>
        tpu.enqueue_dma source(%arg7 : memref<128x64xf32, #tpu.memory_space<vmem>>) target(%dma_start3A_58 : memref<128x64xf32, #tpu.memory_space<hbm>>) target_semaphore(%run_scoped3A : memref<!tpu.dma_semaphore, #tpu.memory_space<semaphore_mem>>)
        %dma_wait3A_59 = arith.constant 0 : i32
        %dma_wait3A_60 = tpu.memref_slice %arg4[%add3A_54, %dma_wait3A_59] : memref<262144x64xf32, #tpu.memory_space<hbm>> -> memref<128x64xf32, #tpu.memory_space<hbm>>
        %dma_wait3A_61 = arith.constant 0 : i32
        %dma_wait3A_62 = tpu.memref_slice %arg4[%add3A_54, %dma_wait3A_61] : memref<262144x64xf32, #tpu.memory_space<hbm>> -> memref<128x64xf32, #tpu.memory_space<hbm>>
        tpu.wait_dma2 semaphore(%run_scoped3A : memref<!tpu.dma_semaphore, #tpu.memory_space<semaphore_mem>>) src(%arg7 : memref<128x64xf32, #tpu.memory_space<vmem>>) dst(%dma_wait3A_62 : memref<128x64xf32, #tpu.memory_space<hbm>>)
        tpu.yield
      }) : () -> ()
    }
    %scan3A_12 = arith.constant 32 : i32
    return
  }
}

module attributes {stable_mosaic.version = 14 : i64} {
  func.func @body(%arg0: i32, %arg1: memref<1x128x1xi32, #tpu.memory_space<vmem>>, %arg2: memref<1x1x4096xi32, #tpu.memory_space<vmem>>, %arg3: memref<1x128x16xi32, #tpu.memory_space<vmem>>, %arg4: memref<1x128x16xf32, #tpu.memory_space<vmem>>) attributes {dimension_semantics = [#tpu.dimension_semantics<parallel>], iteration_bounds = array<i64: 128>, scalar_prefetch = 0 : i64, scratch_operands = 0 : i64, tpu.core_type = #tpu.core_type<tc>, window_params = [{transform_indices = @transform_0, window_bounds = array<i64: 1, 128, 1>}, {transform_indices = @transform_1, window_bounds = array<i64: 1, 1, 4096>}, {transform_indices = @transform_2, window_bounds = array<i64: 1, 128, 16>}, {transform_indices = @transform_3, window_bounds = array<i64: 1, 128, 16>}]} {
    %get3A = arith.constant 0 : index
    %get3A_0 = arith.constant 0 : index
    %get3A_1 = arith.constant 0 : index
    %get3A_2 = vector.load %arg1[%get3A, %get3A_0, %get3A_1] : memref<1x128x1xi32, #tpu.memory_space<vmem>>, vector<1x128x1xi32>
    %get3A_3 = vector.shape_cast %get3A_2 : vector<1x128x1xi32> to vector<128x1xi32>
    %get3A_4 = arith.constant 0 : index
    %get3A_5 = arith.constant 0 : index
    %get3A_6 = arith.constant 0 : index
    %get3A_7 = vector.load %arg2[%get3A_4, %get3A_5, %get3A_6] : memref<1x1x4096xi32, #tpu.memory_space<vmem>>, vector<1x1x4096xi32>
    %get3A_8 = vector.shape_cast %get3A_7 : vector<1x1x4096xi32> to vector<1x4096xi32>
    %sub3A = vector.broadcast %get3A_3 : vector<128x1xi32> to vector<128x4096xi32>
    %sub3A_9 = vector.broadcast %get3A_8 : vector<1x4096xi32> to vector<128x4096xi32>
    %sub3A_10 = arith.subi %sub3A, %sub3A_9 : vector<128x4096xi32>
    %abs3A = math.absi %sub3A_10 : vector<128x4096xi32>
    %iota3A = tpu.iota {dimensions = array<i32: 1>} : vector<128x4096xi32>
    %shift_left3A = arith.constant 12 : i32
    %shift_left3A_11 = vector.broadcast %shift_left3A : i32 to vector<128x4096xi32>
    %shift_left3A_12 = arith.shli %abs3A, %shift_left3A_11 : vector<128x4096xi32>
    %or3A = arith.ori %shift_left3A_12, %iota3A : vector<128x4096xi32>
    %convert_element_type3A = arith.sitofp %or3A : vector<128x4096xi32> to vector<128x4096xf32>
    %slice3A = vector.extract_strided_slice %convert_element_type3A {offsets = [0, 0], sizes = [128, 2048], strides = [1, 1]} : vector<128x4096xf32> to vector<128x2048xf32>
    %slice3A_13 = vector.extract_strided_slice %convert_element_type3A {offsets = [0, 2048], sizes = [128, 2048], strides = [1, 1]} : vector<128x4096xf32> to vector<128x2048xf32>
    %min3A = arith.minimumf %slice3A, %slice3A_13 : vector<128x2048xf32>
    %slice3A_14 = vector.extract_strided_slice %convert_element_type3A {offsets = [0, 0], sizes = [128, 2048], strides = [1, 1]} : vector<128x4096xf32> to vector<128x2048xf32>
    %slice3A_15 = vector.extract_strided_slice %convert_element_type3A {offsets = [0, 2048], sizes = [128, 2048], strides = [1, 1]} : vector<128x4096xf32> to vector<128x2048xf32>
    %max3A = arith.maximumf %slice3A_14, %slice3A_15 : vector<128x2048xf32>
    %reduce_min3A = arith.constant dense<0x7F800000> : vector<128xf32>
    %reduce_min3A_16 = vector.multi_reduction <minimumf>, %min3A, %reduce_min3A [1] : vector<128x2048xf32> to vector<128xf32>
    %broadcast_in_dim3A = vector.shape_cast %reduce_min3A_16 : vector<128xf32> to vector<128x1xf32>
    %gt3A = vector.broadcast %broadcast_in_dim3A : vector<128x1xf32> to vector<128x2048xf32>
    %gt3A_17 = arith.cmpf ogt, %max3A, %gt3A : vector<128x2048xf32>
    %jit3A = arith.constant 2.14748365E+9 : f32
    %broadcast_in_dim3A_18 = vector.broadcast %jit3A : f32 to vector<128x2048xf32>
    %select_n3A = arith.select %gt3A_17, %max3A, %broadcast_in_dim3A_18 : vector<128x2048xi1>, vector<128x2048xf32>
    %eq3A = vector.broadcast %broadcast_in_dim3A : vector<128x1xf32> to vector<128x2048xf32>
    %eq3A_19 = arith.cmpf oeq, %min3A, %eq3A : vector<128x2048xf32>
    %select_n3A_20 = arith.select %eq3A_19, %select_n3A, %min3A : vector<128x2048xi1>, vector<128x2048xf32>
    %reduce_min3A_21 = arith.constant dense<0x7F800000> : vector<128xf32>
    %reduce_min3A_22 = vector.multi_reduction <minimumf>, %select_n3A_20, %reduce_min3A_21 [1] : vector<128x2048xf32> to vector<128xf32>
    %broadcast_in_dim3A_23 = vector.shape_cast %reduce_min3A_22 : vector<128xf32> to vector<128x1xf32>
    %gt3A_24 = vector.broadcast %broadcast_in_dim3A_23 : vector<128x1xf32> to vector<128x2048xf32>
    %gt3A_25 = arith.cmpf ogt, %max3A, %gt3A_24 : vector<128x2048xf32>
    %jit3A_26 = arith.constant 2.14748365E+9 : f32
    %broadcast_in_dim3A_27 = vector.broadcast %jit3A_26 : f32 to vector<128x2048xf32>
    %select_n3A_28 = arith.select %gt3A_25, %max3A, %broadcast_in_dim3A_27 : vector<128x2048xi1>, vector<128x2048xf32>
    %eq3A_29 = vector.broadcast %broadcast_in_dim3A_23 : vector<128x1xf32> to vector<128x2048xf32>
    %eq3A_30 = arith.cmpf oeq, %select_n3A_20, %eq3A_29 : vector<128x2048xf32>
    %select_n3A_31 = arith.select %eq3A_30, %select_n3A_28, %select_n3A_20 : vector<128x2048xi1>, vector<128x2048xf32>
    %reduce_min3A_32 = arith.constant dense<0x7F800000> : vector<128xf32>
    %reduce_min3A_33 = vector.multi_reduction <minimumf>, %select_n3A_31, %reduce_min3A_32 [1] : vector<128x2048xf32> to vector<128xf32>
    %broadcast_in_dim3A_34 = vector.shape_cast %reduce_min3A_33 : vector<128xf32> to vector<128x1xf32>
    %gt3A_35 = vector.broadcast %broadcast_in_dim3A_34 : vector<128x1xf32> to vector<128x2048xf32>
    %gt3A_36 = arith.cmpf ogt, %max3A, %gt3A_35 : vector<128x2048xf32>
    %jit3A_37 = arith.constant 2.14748365E+9 : f32
    %broadcast_in_dim3A_38 = vector.broadcast %jit3A_37 : f32 to vector<128x2048xf32>
    %select_n3A_39 = arith.select %gt3A_36, %max3A, %broadcast_in_dim3A_38 : vector<128x2048xi1>, vector<128x2048xf32>
    %eq3A_40 = vector.broadcast %broadcast_in_dim3A_34 : vector<128x1xf32> to vector<128x2048xf32>
    %eq3A_41 = arith.cmpf oeq, %select_n3A_31, %eq3A_40 : vector<128x2048xf32>
    %select_n3A_42 = arith.select %eq3A_41, %select_n3A_39, %select_n3A_31 : vector<128x2048xi1>, vector<128x2048xf32>
    %reduce_min3A_43 = arith.constant dense<0x7F800000> : vector<128xf32>
    %reduce_min3A_44 = vector.multi_reduction <minimumf>, %select_n3A_42, %reduce_min3A_43 [1] : vector<128x2048xf32> to vector<128xf32>
    %broadcast_in_dim3A_45 = vector.shape_cast %reduce_min3A_44 : vector<128xf32> to vector<128x1xf32>
    %gt3A_46 = vector.broadcast %broadcast_in_dim3A_45 : vector<128x1xf32> to vector<128x2048xf32>
    %gt3A_47 = arith.cmpf ogt, %max3A, %gt3A_46 : vector<128x2048xf32>
    %jit3A_48 = arith.constant 2.14748365E+9 : f32
    %broadcast_in_dim3A_49 = vector.broadcast %jit3A_48 : f32 to vector<128x2048xf32>
    %select_n3A_50 = arith.select %gt3A_47, %max3A, %broadcast_in_dim3A_49 : vector<128x2048xi1>, vector<128x2048xf32>
    %eq3A_51 = vector.broadcast %broadcast_in_dim3A_45 : vector<128x1xf32> to vector<128x2048xf32>
    %eq3A_52 = arith.cmpf oeq, %select_n3A_42, %eq3A_51 : vector<128x2048xf32>
    %select_n3A_53 = arith.select %eq3A_52, %select_n3A_50, %select_n3A_42 : vector<128x2048xi1>, vector<128x2048xf32>
    %reduce_min3A_54 = arith.constant dense<0x7F800000> : vector<128xf32>
    %reduce_min3A_55 = vector.multi_reduction <minimumf>, %select_n3A_53, %reduce_min3A_54 [1] : vector<128x2048xf32> to vector<128xf32>
    %broadcast_in_dim3A_56 = vector.shape_cast %reduce_min3A_55 : vector<128xf32> to vector<128x1xf32>
    %gt3A_57 = vector.broadcast %broadcast_in_dim3A_56 : vector<128x1xf32> to vector<128x2048xf32>
    %gt3A_58 = arith.cmpf ogt, %max3A, %gt3A_57 : vector<128x2048xf32>
    %jit3A_59 = arith.constant 2.14748365E+9 : f32
    %broadcast_in_dim3A_60 = vector.broadcast %jit3A_59 : f32 to vector<128x2048xf32>
    %select_n3A_61 = arith.select %gt3A_58, %max3A, %broadcast_in_dim3A_60 : vector<128x2048xi1>, vector<128x2048xf32>
    %eq3A_62 = vector.broadcast %broadcast_in_dim3A_56 : vector<128x1xf32> to vector<128x2048xf32>
    %eq3A_63 = arith.cmpf oeq, %select_n3A_53, %eq3A_62 : vector<128x2048xf32>
    %select_n3A_64 = arith.select %eq3A_63, %select_n3A_61, %select_n3A_53 : vector<128x2048xi1>, vector<128x2048xf32>
    %reduce_min3A_65 = arith.constant dense<0x7F800000> : vector<128xf32>
    %reduce_min3A_66 = vector.multi_reduction <minimumf>, %select_n3A_64, %reduce_min3A_65 [1] : vector<128x2048xf32> to vector<128xf32>
    %broadcast_in_dim3A_67 = vector.shape_cast %reduce_min3A_66 : vector<128xf32> to vector<128x1xf32>
    %gt3A_68 = vector.broadcast %broadcast_in_dim3A_67 : vector<128x1xf32> to vector<128x2048xf32>
    %gt3A_69 = arith.cmpf ogt, %max3A, %gt3A_68 : vector<128x2048xf32>
    %jit3A_70 = arith.constant 2.14748365E+9 : f32
    %broadcast_in_dim3A_71 = vector.broadcast %jit3A_70 : f32 to vector<128x2048xf32>
    %select_n3A_72 = arith.select %gt3A_69, %max3A, %broadcast_in_dim3A_71 : vector<128x2048xi1>, vector<128x2048xf32>
    %eq3A_73 = vector.broadcast %broadcast_in_dim3A_67 : vector<128x1xf32> to vector<128x2048xf32>
    %eq3A_74 = arith.cmpf oeq, %select_n3A_64, %eq3A_73 : vector<128x2048xf32>
    %select_n3A_75 = arith.select %eq3A_74, %select_n3A_72, %select_n3A_64 : vector<128x2048xi1>, vector<128x2048xf32>
    %reduce_min3A_76 = arith.constant dense<0x7F800000> : vector<128xf32>
    %reduce_min3A_77 = vector.multi_reduction <minimumf>, %select_n3A_75, %reduce_min3A_76 [1] : vector<128x2048xf32> to vector<128xf32>
    %broadcast_in_dim3A_78 = vector.shape_cast %reduce_min3A_77 : vector<128xf32> to vector<128x1xf32>
    %gt3A_79 = vector.broadcast %broadcast_in_dim3A_78 : vector<128x1xf32> to vector<128x2048xf32>
    %gt3A_80 = arith.cmpf ogt, %max3A, %gt3A_79 : vector<128x2048xf32>
    %jit3A_81 = arith.constant 2.14748365E+9 : f32
    %broadcast_in_dim3A_82 = vector.broadcast %jit3A_81 : f32 to vector<128x2048xf32>
    %select_n3A_83 = arith.select %gt3A_80, %max3A, %broadcast_in_dim3A_82 : vector<128x2048xi1>, vector<128x2048xf32>
    %eq3A_84 = vector.broadcast %broadcast_in_dim3A_78 : vector<128x1xf32> to vector<128x2048xf32>
    %eq3A_85 = arith.cmpf oeq, %select_n3A_75, %eq3A_84 : vector<128x2048xf32>
    %select_n3A_86 = arith.select %eq3A_85, %select_n3A_83, %select_n3A_75 : vector<128x2048xi1>, vector<128x2048xf32>
    %reduce_min3A_87 = arith.constant dense<0x7F800000> : vector<128xf32>
    %reduce_min3A_88 = vector.multi_reduction <minimumf>, %select_n3A_86, %reduce_min3A_87 [1] : vector<128x2048xf32> to vector<128xf32>
    %broadcast_in_dim3A_89 = vector.shape_cast %reduce_min3A_88 : vector<128xf32> to vector<128x1xf32>
    %gt3A_90 = vector.broadcast %broadcast_in_dim3A_89 : vector<128x1xf32> to vector<128x2048xf32>
    %gt3A_91 = arith.cmpf ogt, %max3A, %gt3A_90 : vector<128x2048xf32>
    %jit3A_92 = arith.constant 2.14748365E+9 : f32
    %broadcast_in_dim3A_93 = vector.broadcast %jit3A_92 : f32 to vector<128x2048xf32>
    %select_n3A_94 = arith.select %gt3A_91, %max3A, %broadcast_in_dim3A_93 : vector<128x2048xi1>, vector<128x2048xf32>
    %eq3A_95 = vector.broadcast %broadcast_in_dim3A_89 : vector<128x1xf32> to vector<128x2048xf32>
    %eq3A_96 = arith.cmpf oeq, %select_n3A_86, %eq3A_95 : vector<128x2048xf32>
    %select_n3A_97 = arith.select %eq3A_96, %select_n3A_94, %select_n3A_86 : vector<128x2048xi1>, vector<128x2048xf32>
    %reduce_min3A_98 = arith.constant dense<0x7F800000> : vector<128xf32>
    %reduce_min3A_99 = vector.multi_reduction <minimumf>, %select_n3A_97, %reduce_min3A_98 [1] : vector<128x2048xf32> to vector<128xf32>
    %broadcast_in_dim3A_100 = vector.shape_cast %reduce_min3A_99 : vector<128xf32> to vector<128x1xf32>
    %gt3A_101 = vector.broadcast %broadcast_in_dim3A_100 : vector<128x1xf32> to vector<128x2048xf32>
    %gt3A_102 = arith.cmpf ogt, %max3A, %gt3A_101 : vector<128x2048xf32>
    %jit3A_103 = arith.constant 2.14748365E+9 : f32
    %broadcast_in_dim3A_104 = vector.broadcast %jit3A_103 : f32 to vector<128x2048xf32>
    %select_n3A_105 = arith.select %gt3A_102, %max3A, %broadcast_in_dim3A_104 : vector<128x2048xi1>, vector<128x2048xf32>
    %eq3A_106 = vector.broadcast %broadcast_in_dim3A_100 : vector<128x1xf32> to vector<128x2048xf32>
    %eq3A_107 = arith.cmpf oeq, %select_n3A_97, %eq3A_106 : vector<128x2048xf32>
    %select_n3A_108 = arith.select %eq3A_107, %select_n3A_105, %select_n3A_97 : vector<128x2048xi1>, vector<128x2048xf32>
    %reduce_min3A_109 = arith.constant dense<0x7F800000> : vector<128xf32>
    %reduce_min3A_110 = vector.multi_reduction <minimumf>, %select_n3A_108, %reduce_min3A_109 [1] : vector<128x2048xf32> to vector<128xf32>
    %broadcast_in_dim3A_111 = vector.shape_cast %reduce_min3A_110 : vector<128xf32> to vector<128x1xf32>
    %gt3A_112 = vector.broadcast %broadcast_in_dim3A_111 : vector<128x1xf32> to vector<128x2048xf32>
    %gt3A_113 = arith.cmpf ogt, %max3A, %gt3A_112 : vector<128x2048xf32>
    %jit3A_114 = arith.constant 2.14748365E+9 : f32
    %broadcast_in_dim3A_115 = vector.broadcast %jit3A_114 : f32 to vector<128x2048xf32>
    %select_n3A_116 = arith.select %gt3A_113, %max3A, %broadcast_in_dim3A_115 : vector<128x2048xi1>, vector<128x2048xf32>
    %eq3A_117 = vector.broadcast %broadcast_in_dim3A_111 : vector<128x1xf32> to vector<128x2048xf32>
    %eq3A_118 = arith.cmpf oeq, %select_n3A_108, %eq3A_117 : vector<128x2048xf32>
    %select_n3A_119 = arith.select %eq3A_118, %select_n3A_116, %select_n3A_108 : vector<128x2048xi1>, vector<128x2048xf32>
    %reduce_min3A_120 = arith.constant dense<0x7F800000> : vector<128xf32>
    %reduce_min3A_121 = vector.multi_reduction <minimumf>, %select_n3A_119, %reduce_min3A_120 [1] : vector<128x2048xf32> to vector<128xf32>
    %broadcast_in_dim3A_122 = vector.shape_cast %reduce_min3A_121 : vector<128xf32> to vector<128x1xf32>
    %gt3A_123 = vector.broadcast %broadcast_in_dim3A_122 : vector<128x1xf32> to vector<128x2048xf32>
    %gt3A_124 = arith.cmpf ogt, %max3A, %gt3A_123 : vector<128x2048xf32>
    %jit3A_125 = arith.constant 2.14748365E+9 : f32
    %broadcast_in_dim3A_126 = vector.broadcast %jit3A_125 : f32 to vector<128x2048xf32>
    %select_n3A_127 = arith.select %gt3A_124, %max3A, %broadcast_in_dim3A_126 : vector<128x2048xi1>, vector<128x2048xf32>
    %eq3A_128 = vector.broadcast %broadcast_in_dim3A_122 : vector<128x1xf32> to vector<128x2048xf32>
    %eq3A_129 = arith.cmpf oeq, %select_n3A_119, %eq3A_128 : vector<128x2048xf32>
    %select_n3A_130 = arith.select %eq3A_129, %select_n3A_127, %select_n3A_119 : vector<128x2048xi1>, vector<128x2048xf32>
    %reduce_min3A_131 = arith.constant dense<0x7F800000> : vector<128xf32>
    %reduce_min3A_132 = vector.multi_reduction <minimumf>, %select_n3A_130, %reduce_min3A_131 [1] : vector<128x2048xf32> to vector<128xf32>
    %broadcast_in_dim3A_133 = vector.shape_cast %reduce_min3A_132 : vector<128xf32> to vector<128x1xf32>
    %gt3A_134 = vector.broadcast %broadcast_in_dim3A_133 : vector<128x1xf32> to vector<128x2048xf32>
    %gt3A_135 = arith.cmpf ogt, %max3A, %gt3A_134 : vector<128x2048xf32>
    %jit3A_136 = arith.constant 2.14748365E+9 : f32
    %broadcast_in_dim3A_137 = vector.broadcast %jit3A_136 : f32 to vector<128x2048xf32>
    %select_n3A_138 = arith.select %gt3A_135, %max3A, %broadcast_in_dim3A_137 : vector<128x2048xi1>, vector<128x2048xf32>
    %eq3A_139 = vector.broadcast %broadcast_in_dim3A_133 : vector<128x1xf32> to vector<128x2048xf32>
    %eq3A_140 = arith.cmpf oeq, %select_n3A_130, %eq3A_139 : vector<128x2048xf32>
    %select_n3A_141 = arith.select %eq3A_140, %select_n3A_138, %select_n3A_130 : vector<128x2048xi1>, vector<128x2048xf32>
    %reduce_min3A_142 = arith.constant dense<0x7F800000> : vector<128xf32>
    %reduce_min3A_143 = vector.multi_reduction <minimumf>, %select_n3A_141, %reduce_min3A_142 [1] : vector<128x2048xf32> to vector<128xf32>
    %broadcast_in_dim3A_144 = vector.shape_cast %reduce_min3A_143 : vector<128xf32> to vector<128x1xf32>
    %gt3A_145 = vector.broadcast %broadcast_in_dim3A_144 : vector<128x1xf32> to vector<128x2048xf32>
    %gt3A_146 = arith.cmpf ogt, %max3A, %gt3A_145 : vector<128x2048xf32>
    %jit3A_147 = arith.constant 2.14748365E+9 : f32
    %broadcast_in_dim3A_148 = vector.broadcast %jit3A_147 : f32 to vector<128x2048xf32>
    %select_n3A_149 = arith.select %gt3A_146, %max3A, %broadcast_in_dim3A_148 : vector<128x2048xi1>, vector<128x2048xf32>
    %eq3A_150 = vector.broadcast %broadcast_in_dim3A_144 : vector<128x1xf32> to vector<128x2048xf32>
    %eq3A_151 = arith.cmpf oeq, %select_n3A_141, %eq3A_150 : vector<128x2048xf32>
    %select_n3A_152 = arith.select %eq3A_151, %select_n3A_149, %select_n3A_141 : vector<128x2048xi1>, vector<128x2048xf32>
    %reduce_min3A_153 = arith.constant dense<0x7F800000> : vector<128xf32>
    %reduce_min3A_154 = vector.multi_reduction <minimumf>, %select_n3A_152, %reduce_min3A_153 [1] : vector<128x2048xf32> to vector<128xf32>
    %broadcast_in_dim3A_155 = vector.shape_cast %reduce_min3A_154 : vector<128xf32> to vector<128x1xf32>
    %gt3A_156 = vector.broadcast %broadcast_in_dim3A_155 : vector<128x1xf32> to vector<128x2048xf32>
    %gt3A_157 = arith.cmpf ogt, %max3A, %gt3A_156 : vector<128x2048xf32>
    %jit3A_158 = arith.constant 2.14748365E+9 : f32
    %broadcast_in_dim3A_159 = vector.broadcast %jit3A_158 : f32 to vector<128x2048xf32>
    %select_n3A_160 = arith.select %gt3A_157, %max3A, %broadcast_in_dim3A_159 : vector<128x2048xi1>, vector<128x2048xf32>
    %eq3A_161 = vector.broadcast %broadcast_in_dim3A_155 : vector<128x1xf32> to vector<128x2048xf32>
    %eq3A_162 = arith.cmpf oeq, %select_n3A_152, %eq3A_161 : vector<128x2048xf32>
    %select_n3A_163 = arith.select %eq3A_162, %select_n3A_160, %select_n3A_152 : vector<128x2048xi1>, vector<128x2048xf32>
    %reduce_min3A_164 = arith.constant dense<0x7F800000> : vector<128xf32>
    %reduce_min3A_165 = vector.multi_reduction <minimumf>, %select_n3A_163, %reduce_min3A_164 [1] : vector<128x2048xf32> to vector<128xf32>
    %broadcast_in_dim3A_166 = vector.shape_cast %reduce_min3A_165 : vector<128xf32> to vector<128x1xf32>
    %gt3A_167 = vector.broadcast %broadcast_in_dim3A_166 : vector<128x1xf32> to vector<128x2048xf32>
    %gt3A_168 = arith.cmpf ogt, %max3A, %gt3A_167 : vector<128x2048xf32>
    %jit3A_169 = arith.constant 2.14748365E+9 : f32
    %broadcast_in_dim3A_170 = vector.broadcast %jit3A_169 : f32 to vector<128x2048xf32>
    %select_n3A_171 = arith.select %gt3A_168, %max3A, %broadcast_in_dim3A_170 : vector<128x2048xi1>, vector<128x2048xf32>
    %eq3A_172 = vector.broadcast %broadcast_in_dim3A_166 : vector<128x1xf32> to vector<128x2048xf32>
    %eq3A_173 = arith.cmpf oeq, %select_n3A_163, %eq3A_172 : vector<128x2048xf32>
    %select_n3A_174 = arith.select %eq3A_173, %select_n3A_171, %select_n3A_163 : vector<128x2048xi1>, vector<128x2048xf32>
    %reduce_min3A_175 = arith.constant dense<0x7F800000> : vector<128xf32>
    %reduce_min3A_176 = vector.multi_reduction <minimumf>, %select_n3A_174, %reduce_min3A_175 [1] : vector<128x2048xf32> to vector<128xf32>
    %broadcast_in_dim3A_177 = vector.shape_cast %reduce_min3A_176 : vector<128xf32> to vector<128x1xf32>
    %concatenate3A = tpu.concatenate %broadcast_in_dim3A, %broadcast_in_dim3A_23, %broadcast_in_dim3A_34, %broadcast_in_dim3A_45, %broadcast_in_dim3A_56, %broadcast_in_dim3A_67, %broadcast_in_dim3A_78, %broadcast_in_dim3A_89, %broadcast_in_dim3A_100, %broadcast_in_dim3A_111, %broadcast_in_dim3A_122, %broadcast_in_dim3A_133, %broadcast_in_dim3A_144, %broadcast_in_dim3A_155, %broadcast_in_dim3A_166, %broadcast_in_dim3A_177 in 1 : vector<128x1xf32>, vector<128x1xf32>, vector<128x1xf32>, vector<128x1xf32>, vector<128x1xf32>, vector<128x1xf32>, vector<128x1xf32>, vector<128x1xf32>, vector<128x1xf32>, vector<128x1xf32>, vector<128x1xf32>, vector<128x1xf32>, vector<128x1xf32>, vector<128x1xf32>, vector<128x1xf32>, vector<128x1xf32> -> vector<128x16xf32>
    %convert_element_type3A_178 = arith.fptosi %concatenate3A : vector<128x16xf32> to vector<128x16xi32>
    %jit3A_179 = arith.constant 32 : i32
    %div3A = arith.divsi %arg0, %jit3A_179 : i32
    %sign3A = arith.constant 0 : i32
    %sign3A_180 = arith.cmpi sgt, %arg0, %sign3A : i32
    %sign3A_181 = arith.extui %sign3A_180 : i1 to i32
    %sign3A_182 = arith.constant 0 : i32
    %sign3A_183 = arith.cmpi slt, %arg0, %sign3A_182 : i32
    %sign3A_184 = arith.extui %sign3A_183 : i1 to i32
    %sign3A_185 = arith.subi %sign3A_181, %sign3A_184 : i32
    %sign3A_186 = arith.constant 0 : i32
    %sign3A_187 = arith.cmpi sgt, %jit3A_179, %sign3A_186 : i32
    %sign3A_188 = arith.extui %sign3A_187 : i1 to i32
    %sign3A_189 = arith.constant 0 : i32
    %sign3A_190 = arith.cmpi slt, %jit3A_179, %sign3A_189 : i32
    %sign3A_191 = arith.extui %sign3A_190 : i1 to i32
    %sign3A_192 = arith.subi %sign3A_188, %sign3A_191 : i32
    %ne3A = arith.cmpi ne, %sign3A_185, %sign3A_192 : i32
    %rem3A = arith.remsi %arg0, %jit3A_179 : i32
    %ne3A_193 = arith.constant 0 : i32
    %ne3A_194 = arith.cmpi ne, %rem3A, %ne3A_193 : i32
    %and3A = arith.andi %ne3A, %ne3A_194 : i1
    %sub3A_195 = arith.constant 1 : i32
    %sub3A_196 = arith.subi %div3A, %sub3A_195 : i32
    %select_n3A_197 = arith.select %and3A, %sub3A_196, %div3A : i32
    %add3A = arith.constant 0 : i32
    %add3A_198 = arith.addi %select_n3A_197, %add3A : i32
    %mul3A = arith.constant 4096 : i32
    %mul3A_199 = arith.muli %add3A_198, %mul3A : i32
    %and3A_200 = arith.constant 4095 : i32
    %and3A_201 = vector.broadcast %and3A_200 : i32 to vector<128x16xi32>
    %and3A_202 = arith.andi %convert_element_type3A_178, %and3A_201 : vector<128x16xi32>
    %add3A_203 = vector.broadcast %mul3A_199 : i32 to vector<128x16xi32>
    %add3A_204 = arith.addi %and3A_202, %add3A_203 : vector<128x16xi32>
    %swap3A = arith.constant 0 : index
    %swap3A_205 = arith.constant 0 : index
    %swap3A_206 = arith.constant 0 : index
    %swap3A_207 = vector.load %arg3[%swap3A, %swap3A_205, %swap3A_206] : memref<1x128x16xi32, #tpu.memory_space<vmem>>, vector<1x128x16xi32>
    %swap3A_208 = vector.shape_cast %swap3A_207 : vector<1x128x16xi32> to vector<128x16xi32>
    %swap3A_209 = vector.shape_cast %add3A_204 : vector<128x16xi32> to vector<1x128x16xi32>
    tpu.vector_store %arg3[%swap3A, %swap3A_205, %swap3A_206], %swap3A_209 {strides = array<i32>} : memref<1x128x16xi32, #tpu.memory_space<vmem>>, vector<1x128x16xi32>,
    %shift_right_arithmetic3A = arith.constant 12 : i32
    %shift_right_arithmetic3A_210 = vector.broadcast %shift_right_arithmetic3A : i32 to vector<128x16xi32>
    %shift_right_arithmetic3A_211 = arith.shrsi %convert_element_type3A_178, %shift_right_arithmetic3A_210 : vector<128x16xi32>
    %convert_element_type3A_212 = arith.sitofp %shift_right_arithmetic3A_211 : vector<128x16xi32> to vector<128x16xf32>
    %swap3A_213 = arith.constant 0 : index
    %swap3A_214 = arith.constant 0 : index
    %swap3A_215 = arith.constant 0 : index
    %swap3A_216 = vector.load %arg4[%swap3A_213, %swap3A_214, %swap3A_215] : memref<1x128x16xf32, #tpu.memory_space<vmem>>, vector<1x128x16xf32>
    %swap3A_217 = vector.shape_cast %swap3A_216 : vector<1x128x16xf32> to vector<128x16xf32>
    %swap3A_218 = vector.shape_cast %convert_element_type3A_212 : vector<128x16xf32> to vector<1x128x16xf32>
    tpu.vector_store %arg4[%swap3A_213, %swap3A_214, %swap3A_215], %swap3A_218 {strides = array<i32>} : memref<1x128x16xf32, #tpu.memory_space<vmem>>, vector<1x128x16xf32>,
    return
  }
  func.func @transform_0(%arg0: i32) -> (i32, i32, i32) {
    %c0_i32 = arith.constant 0 : i32
    %c0_i32_0 = arith.constant 0 : i32
    %c0_i32_1 = arith.constant 0 : i32
    return %arg0, %c0_i32, %c0_i32_0 : i32, i32, i32
  }
  func.func @transform_1(%arg0: i32) -> (i32, i32, i32) {
    %jit3A = arith.constant 32 : i32
    %div3A = arith.divsi %arg0, %jit3A : i32
    %sign3A = arith.constant 0 : i32
    %sign3A_0 = arith.cmpi sgt, %arg0, %sign3A : i32
    %sign3A_1 = arith.extui %sign3A_0 : i1 to i32
    %sign3A_2 = arith.constant 0 : i32
    %sign3A_3 = arith.cmpi slt, %arg0, %sign3A_2 : i32
    %sign3A_4 = arith.extui %sign3A_3 : i1 to i32
    %sign3A_5 = arith.subi %sign3A_1, %sign3A_4 : i32
    %sign3A_6 = arith.constant 0 : i32
    %sign3A_7 = arith.cmpi sgt, %jit3A, %sign3A_6 : i32
    %sign3A_8 = arith.extui %sign3A_7 : i1 to i32
    %sign3A_9 = arith.constant 0 : i32
    %sign3A_10 = arith.cmpi slt, %jit3A, %sign3A_9 : i32
    %sign3A_11 = arith.extui %sign3A_10 : i1 to i32
    %sign3A_12 = arith.subi %sign3A_8, %sign3A_11 : i32
    %ne3A = arith.cmpi ne, %sign3A_5, %sign3A_12 : i32
    %rem3A = arith.remsi %arg0, %jit3A : i32
    %ne3A_13 = arith.constant 0 : i32
    %ne3A_14 = arith.cmpi ne, %rem3A, %ne3A_13 : i32
    %and3A = arith.andi %ne3A, %ne3A_14 : i1
    %sub3A = arith.constant 1 : i32
    %sub3A_15 = arith.subi %div3A, %sub3A : i32
    %select_n3A = arith.select %and3A, %sub3A_15, %div3A : i32
    %c0_i32 = arith.constant 0 : i32
    %c0_i32_16 = arith.constant 0 : i32
    %c0_i32_17 = arith.constant 0 : i32
    return %select_n3A, %c0_i32, %c0_i32_16 : i32, i32, i32
  }
  func.func @transform_2(%arg0: i32) -> (i32, i32, i32) {
    %c0_i32 = arith.constant 0 : i32
    %c0_i32_0 = arith.constant 0 : i32
    %c0_i32_1 = arith.constant 0 : i32
    return %arg0, %c0_i32, %c0_i32_0 : i32, i32, i32
  }
  func.func @transform_3(%arg0: i32) -> (i32, i32, i32) {
    %c0_i32 = arith.constant 0 : i32
    %c0_i32_0 = arith.constant 0 : i32
    %c0_i32_1 = arith.constant 0 : i32
    return %arg0, %c0_i32, %c0_i32_0 : i32, i32, i32
  }
}

</mosaic_0001>

<sc_bundles>
// kernel: kernel.4.cloned.1.call-start
scs
__scs_entry_jumppad:
0x0: {  	(pc) =	sbr.rel $0x88, $3  }
0x1: {  	(tag) =	ssettag $0x0;
	lr =	simm.s32 $0x1  }
0x2: {  	[smem:$0x3F9F] =	sst lr;
	_ =	strace $0xD0000000  }
0x3: {  	_ = 	snop  }
0x4: {  	_ = 	snop  }
0x5: {  	_ = 	snop  }
0x6: {  	_ = 	snop  }
0x7: {  	_ = 	snop  }
__scs_overlays_trampoline_lowered:
0x8: {  	[smem:$0x3FAE] =	sst s0  }
0x9: {  	[smem:$0x3FAF] =	sst s1  }
0xa: {  	[smem:$0x3FB0] =	sst s2  }
0xb: {  	[smem:$0x3FB1] =	sst s3  }
0xc: {  	[smem:$0x3FB2] =	sst s4  }
0xd: {  	[smem:$0x3FB3] =	sst s5  }
0xe: {  	[smem:$0x3FB4] =	sst s6  }
0xf: {  	[smem:$0x3FB5] =	sst s7  }
0x10: {  	[smem:$0x3FB6] =	sst s8  }
0x11: {  	[smem:$0x3FB7] =	sst s9;
	s0 =	simm.s32 @!p0 $0x0  }
0x12: {  	s1 =	sld [smem:$0x3F9D];
	s0 =	simm.s32 @p0 $0x1  }
0x13: {  	[smem:$0x3FB8] =	sst s0;
	s0 =	simm.s32 @!p1 $0x0  }
0x14: {  	s2 =	sld [smem:$0x3F9C];
	s0 =	simm.s32 @p1 $0x1  }
0x15: {  	[smem:$0x3FB9] =	sst s0;
	s0 =	simm.s32 @!p2 $0x0  }
0x16: {  	s3 =	sld [smem:$0x3FDB];
	s0 =	simm.s32 @p2 $0x1  }
0x17: {  	s4 =	simm.s32 $0x1BF5;
	[smem:$0x3FBB] =	sst s0  }
0x18: {  	s0 =	sld [smem:$0x3F9E];
	_ =	swait.ge [sflag:s4], $0x0  }
0x19: {  	s7 =	sld [smem:$0x3F9F]  }
0x1a: {  	s8 =	sadd.s32 $0xFFFFE003, lr  }
0x1b: {  	s9 =	sadd.s32 $0xFFFFFEF7, lr;
	s5 =	simm.s32 $0xFFFFFFFF;
	p2 =	slt.u32 s8, $0xFFFFF086  }
0x1c: {  	p1 =	slt.u32 s9, $0xF7A;
	s5 =	simm.s32 @!p2 $0x0  }
0x1d: {  	s5 =	simm.s32 @p1 $0x1;
	p0 =	seq.s32 s7, s2  }
0x1e: {  	s7 =	smul.u32 @!p0 $0xF7A, s2;
	p2 =	seq.s32 @!p0 s5, $0x0  }
0x1f: {  	s9 =	smul.u32 $0xF7A, s1;
	s8 =	simm.s32 @!p0 $0x1BF5;
	p2 =	por !p2, p0  }
0x20: {  	[sflag:s8] =	ssyncset.s32 @!p0 $0xFFFFF086;
	s6 =	sadd.s32 @!p0 s3, s7;
	s7 =	simm.s32 @!p0 $0x108  }
0x21: {  	s3 =	sadd.s32 s3, s9;
	s6 =	sadd.s32 @!p0 $0x88, s6;
	s7 =	simm.s32 @p2 $0x1082  }
0x22: {  	[simem:s7], [sflag:s8] =	dma.local @!p0 [hbm:s6], $0xF7A  }
0x23: {  	s9 =	sor.u32 $0xD0000000, s2;
	s6 =	simm.s32 $0x108;
	_ =	swait.ge @!p0 [sflag:s8], $0x0  }
0x24: {  	s3 =	sadd.s32 $0x88, s3;
	s6 =	simm.s32 @!p1 $0x1082;
	[sflag:s4] =	ssyncset.s32 $0xFFFFF086  }
0x25: {  	[simem:s6], [sflag:s4] =	dma.local [hbm:s3], $0xF7A  }
0x26: {  	[smem:$0x3F9F] =	sst s1;
	(tag) =	ssettag s2;
	_ =	strace s9  }
0x27: {  	s1 =	sld [smem:$0x3FAF]  }
0x28: {  	s2 =	sld [smem:$0x3FB0]  }
0x29: {  	s4 =	sld [smem:$0x3FB2]  }
0x2a: {  	p0 =	seq.s32 s5, $0x0;
	s5 =	sld [smem:$0x3FB3]  }
0x2b: {  	s6 =	sld [smem:$0x3FB4]  }
0x2c: {  	s7 =	sld [smem:$0x3FB5]  }
0x2d: {  	s3 =	simm.s32 $0x108;
	s8 =	sld [smem:$0x3FB6]  }
0x2e: {  	s3 =	simm.s32 @!p0 $0x1082;
	s9 =	sld [smem:$0x3FB7]  }
0x2f: {  	lr =	sadd.s32 s0, s3;
	s0 =	sld [smem:$0x3FAE]  }
0x30: {  	s3 =	sld [smem:$0x3FB1]  }
0x31: {  	[smem:$0x3FBA] =	sst s10  }
0x32: {  	s10 =	sld [smem:$0x3FB8];
	_ =	sdelay $0x3  }
0x33: {  	p0 =	seq.s32 s10, $0x1;
	s10 =	sld [smem:$0x3FBA];
	_ =	sdelay $0x3  }
0x34: {  	[smem:$0x3FBA] =	sst s10  }
0x35: {  	s10 =	sld [smem:$0x3FB9];
	_ =	sdelay $0x3  }
0x36: {  	p1 =	seq.s32 s10, $0x1;
	s10 =	sld [smem:$0x3FBA];
	_ =	sdelay $0x3  }
0x37: {  	[smem:$0x3FBA] =	sst s10  }
0x38: {  	s10 =	sld [smem:$0x3FBB]  }
0x39: {  	_ = 	snop;
	(pc) =	sbr.ind lr, $3  }
0x3a: {  	_ = 	snop  }
0x3b: {  	_ = 	snop  }
0x3c: {  	p2 =	seq.s32 s10, $0x1;
	s10 =	sld [smem:$0x3FBA]  }
0x3d: {  	_ =	shalt  }
0x3e: {  	_ =	shalt  }
0x3f: {  	_ =	shalt  }
0x40: {  	_ =	shalt  }
0x41: {  	_ =	shalt  }
0x42: {  	_ =	shalt  }
0x43: {  	_ =	shalt  }
0x44: {  	_ =	shalt  }
0x45: {  	_ =	shalt  }
0x46: {  	_ =	shalt  }
0x47: {  	_ =	shalt  }
0x48: {  	_ =	shalt  }
0x49: {  	_ =	shalt  }
0x4a: {  	_ =	shalt  }
0x4b: {  	_ =	shalt  }
0x4c: {  	_ =	shalt  }
0x4d: {  	_ =	shalt  }
0x4e: {  	_ =	shalt  }
0x4f: {  	_ =	shalt  }
0x50: {  	_ =	shalt  }
0x51: {  	_ =	shalt  }
0x52: {  	_ =	shalt  }
0x53: {  	_ =	shalt  }
0x54: {  	_ =	shalt  }
0x55: {  	_ =	shalt  }
0x56: {  	_ =	shalt  }
0x57: {  	_ =	shalt  }
0x58: {  	_ =	shalt  }
0x59: {  	_ =	shalt  }
0x5a: {  	_ =	shalt  }
0x5b: {  	_ =	shalt  }
0x5c: {  	_ =	shalt  }
0x5d: {  	_ =	shalt  }
0x5e: {  	_ =	shalt  }
0x5f: {  	_ =	shalt  }
0x60: {  	_ =	shalt  }
0x61: {  	_ =	shalt  }
0x62: {  	_ =	shalt  }
0x63: {  	_ =	shalt  }
0x64: {  	_ =	shalt  }
0x65: {  	_ =	shalt  }
0x66: {  	_ =	shalt  }
0x67: {  	_ =	shalt  }
0x68: {  	_ =	shalt  }
0x69: {  	_ =	shalt  }
0x6a: {  	_ =	shalt  }
0x6b: {  	_ =	shalt  }
0x6c: {  	_ =	shalt  }
0x6d: {  	_ =	shalt  }
0x6e: {  	_ =	shalt  }
0x6f: {  	_ =	shalt  }
0x70: {  	_ =	shalt  }
0x71: {  	_ =	shalt  }
0x72: {  	_ =	shalt  }
0x73: {  	_ =	shalt  }
0x74: {  	_ =	shalt  }
0x75: {  	_ =	shalt  }
0x76: {  	_ =	shalt  }
0x77: {  	_ =	shalt  }
0x78: {  	_ =	shalt  }
0x79: {  	_ =	shalt  }
0x7a: {  	_ =	shalt  }
0x7b: {  	_ =	shalt  }
0x7c: {  	_ =	shalt  }
0x7d: {  	_ =	shalt  }
0x7e: {  	_ =	shalt  }
0x7f: {  	_ =	shalt  }
0x80: {  	_ =	shalt  }
0x81: {  	_ =	shalt  }
0x82: {  	_ =	shalt  }
0x83: {  	_ =	shalt  }
0x84: {  	_ =	shalt  }
0x85: {  	_ =	shalt  }
0x86: {  	_ =	shalt  }
0x87: {  	_ =	shalt  }
.Lfunc_end0:
.L_simem_size_0:
called_computation.1_lowered:
.L_overlay_start_0:
0x88: {  	s2 =	sld [smem:$0x3FD9]  }
0x89: {  	s3 =	sld [smem:$0x3FFE];
	_ =	sdelay $0x1  }
0x8a: {  	s1 =	srdreg.scid  }
0x8b: {  	s0 =	sand.u32 $0x1, s1  }
0x8c: {  	s14 =	sshll.u32 s0, $0xA;
	s2 =	sadd.s32 s3, s2  }
0x8d: {  	s2 =	sadd.s32 s2, s14  }
0x8e: {  	[smem:$0x3FC6] =	sst s2  }
0x8f: {  	_ = 	snop  }
0x90: {  	s2 =	sld [smem:$0x3FD0];
	_ =	sdelay $0x2  }
0x91: {  	s15 =	simm.s32 $0xA;
	s4 =	simm.s32 $0x10  }
0x92: {  	[smem:s4], [sflag:s15] =	dma.local [hbm:s2], $0x1  }
0x93: {  	_ =	swait.eq [sflag:s15], $0x1  }
0x94: {  	[sflag:s15] =	ssyncset.done $0x0  }
0x95: {  	s16 =	sld [smem:$0x10];
	[sflag:s15] =	ssyncadd.s32 $0xFFFFFFFF  }
0x96: {  	s17 =	sld [smem:$0x11];
	(tm) =	ssettm $0x1  }
0x97: {  	s18 =	sld [smem:$0x3FFB];
	_ =	sdelay $0x3  }
0x98: {  	_ =	strace s18  }
0x99: {  	s4 =	sld [smem:$0x3FFC];
	_ =	sdelay $0x3  }
0x9a: {  	_ =	strace s4  }
0x9b: {  	s4 =	sld [smem:$0x3FFD];
	_ =	sdelay $0x3  }
0x9c: {  	_ =	strace s4  }
0x9d: {  	_ =	strace $0x8FFFFFFF  }
0x9e: {  	s19 =	sld [smem:$0x3FDB];
	_ =	sdelay $0x1  }
0x9f: {  	s5 =	simm.s32 $_scs_section_size  }
0xa0: {  	s6 =	simm.s32 $_size__tile_overlayer_lowered;
	s7 =	simm.s32 $_tile_overlayer_lowered  }
0xa1: {  	s22 =	simm.s32 $0x1BFF;
	s21 =	sshll.u32 s7, $0x1;
	s4 =	sadd.s32 s5, s19  }
0xa2: {  	s8 =	simm.s32 $0x0;
	s20 =	sshll.u32 s6, $0x1;
	s6 =	sadd.s32 s21, s4  }
0xa3: {  	[timem:s8], [sflag:s22] =	dma.local [hbm:s6], s20  }
0xa4: {  	_ =	swait.ge [sflag:s22], s20  }
0xa5: {  	s5 =	ssub.s32 $0x0, s20;
	[sflag:s22] =	ssyncset.done $0x0  }
0xa6: {  	[sflag:s22] =	ssyncadd.s32 s5;
	_ =	sdelay $0x1  }
0xa7: {  	s23 =	simm.s32 $0x1B8B  }
0xa8: {  	_ =	swait.ge [sflag:s23], $0x1  }
0xa9: {  	[sflag:s23] =	ssyncset.done $0x0  }
0xaa: {  	s25 =	simm.s32 $0x1B8E;
	s24 =	sld [smem:$0x3FFE];
	[sflag:s23] =	ssyncadd.s32 $0xFFFFFFFF  }
0xab: {  	s26 =	simm.s32 $execute0_lowered;
	[smem:$0x3FD2] =	sst s25  }
0xac: {  	s6 =	sshll.u32 s26, $0x1;
	_ =	strace $0x80000046;
	[dreg:$0x1] =	wrdreg $0xFFFFFFFF  }
0xad: {  	s28 =	simm.s32 $_size_execute0_lowered;
	s4 =	sadd.s32 s4, s6;
	[dreg:$0x0] =	wrdreg $0x0  }
0xae: {  	s6 =	sshll.u32 s28, $0x1;
	[dreg:$0x2] =	wrdreg s4  }
0xaf: {  	[dreg:$0x3] =	wrdreg s6  }
0xb0: {  	[dreg:$0x4] =	wrdreg $0xC0  }
0xb1: {  	_ =	task [dreg:s8], $0x5FFFF  }
0xb2: {  	[dreg:$0x1] =	wrdreg $0xFFFFFFFF  }
0xb3: {  	[dreg:$0x0] =	wrdreg $0x60  }
0xb4: {  	[dreg:$0x2] =	wrdreg s24  }
0xb5: {  	[dreg:$0x3] =	wrdreg s16  }
0xb6: {  	[dreg:$0x4] =	wrdreg s17  }
0xb7: {  	[dreg:$0x5] =	wrdreg $0x60000  }
0xb8: {  	[dreg:$0x6] =	wrdreg $0x9  }
0xb9: {  	_ =	task.clear_ibuf [dreg:s8], $0x7FFFF;
	_ =	strace $0x90000046  }
0xba: {  	s29 =	simm.s32 $0x9;
	_ =	strace $0x80000048  }
0xbb: {  	_ =	swait.ge [sflag:s29], $0x1  }
0xbc: {  	[sflag:s29] =	ssyncadd.s32 $0xFFFFFFFF  }
0xbd: {  	_ =	strace $0x90000048  }
0xbe: {  	_ =	sfence  }
0xbf: {  	s30 =	sld [smem:$0x0];
	_ =	sdelay $0x2  }
0xc0: {  	s31 =	sshll.u32 s1, $0xD;
	s1 =	sshrl.u32 s1, $0x2  }
0xc1: {  	s3 =	sand.u32 $0x4000, s31;
	s1 =	sadd.s32 s1, s30  }
0xc2: {  	s0 =	sor.u32 s3, s0;
	s1 =	sshll.u32 s1, $0x11  }
0xc3: {  	s0 =	sor.u32 s1, s0  }
0xc4: {  	s0 =	sadd.s32 $0x8F2B, s0  }
0xc5: {  	[sflag:s0] =	ssyncadd.remote.s32 $0x1  }
0xc6: {  	_ =	sfence.sel $0xFFFF  }
0xc7: {  	[dreg:$0x0] =	wrdreg $0xFFFFFFFF;
	(pc) =	sbr.abs _section_cstart, $3  }
0xc8: {  	[dreg:$0x1] =	wrdreg $0xFFFFFFFF  }
0xc9: {  	_ =	task.clear_ibuf [dreg:s8], $0x2FFFF;
	_ =	strace $0x9FFFFFFF  }
0xca: {  	(tm) =	ssettm $0x7FFFFFFF  }
0xcb: {  	_ =	shalt  }
tec
execute0_lowered:
.L_overlay_start_1:
0x0: {  	(tag) =	ssettag $0x1  }
0x1: {  	s3 =	rddreg [dreg:$0x0]  }
0x2: {  	s4 =	rddreg [dreg:$0x1]  }
0x3: {  	s7 =	rddreg [dreg:$0x2]  }
0x4: {  	s1 =	rddreg [dreg:$0x3]  }
0x5: {  	s0 =	rddreg [dreg:$0x4];
	s5 =	srdreg.scid  }
0x6: {  	s2 =	simm.s32 $0x0;
	s9 =	stileid.u32;
	s12 =	simm.s32 $0x1  }
0x7: {  	s13 =	simm.s32 $0x80;
	s14 =	simm.s32 $0x4000;
	s15 =	simm.s32 $0x2  }
0x8: {  	s16 =	simm.s32 $0x1F80;
	s17 =	simm.s32 $0x0;
	s8 =	sand.u32 $0x1, s5  }
0x9: {  	[smem:$0x7FF] =	sst s2;
	s28 =	sshll.u32 s9, $0xE;
	s3 =	sadd.s32 $0x1000, s3  }
0xa: {  	s31 =	sshll.u32 s9, $0x11;
	p0 =	sne.s32 s9, $0x0;
	s6 =	sshll.u32 s8, $0xD  }
0xb: {  	_ =	strace $0x80000047;
	s10 =	ssub.s32 $0x2, s8;
	s8 =	sshll.u32 s8, $0x10  }
0xc: {  	s9 =	sshrl.u32 @!p0 s1, $0x3;
	s5 =	sor.u32 s6, s28;
	s29 =	sshrl.u32 s10, $0x1  }
0xd: {  	s11 =	sshrl.u32 s5, $0x3;
	s6 =	ssub.s32 s10, s29;
	s5 =	sshll.u32 s5, $0x3  }
0xe: {  	s10 =	simm.s32 $0x3;
	s4 =	sadd.s32 s4, s11;
	s30 =	sadd.s32 s7, s5  }
0xf: {  	s5 =	smax.u32 s6, $0x1;
	s11 =	sadd.s32 s31, s7;
	s6 =	sadd.s32 $0xF800, s30  }
0x10: {  	s7 =	sadd.s32 $0xFC00, s30;
	s8 =	sadd.s32 s8, s11;
	s11 =	simm.s32 $0x2000  }
.LBB2_1:
0x11: {  	s18 =	simm.s32 @!p0 $0x1C03  }
0x12: {  	[spmem:s9], [sflag:s18] =	dma.local @!p0 [hbm:s3], $0x20000  }
0x13: {  	s18 =	simm.s32 @!p0 $0x3  }
0x14: {  	_ =	swait.ge @!p0 [sflag:s18], $0x20000  }
0x15: {  	[sflag:s18] =	ssyncset.done @!p0 $0x0  }
0x16: {  	[sflag:s18] =	ssyncadd.s32 @!p0 $0xFFFE0000  }
0x17: {  	[tilespmem:s2], [sflag:$0x3] =	stream.linear.gather [hbm4b:s4+s2], $0x2000, $0x38;
	[tilespmem:$0x16000] =	vst v63  }
0x18: {  	_ =	swait.ge [sflag:s10], $0x2000  }
0x19: {  	[sflag:s10] =	ssyncset.done $0x0  }
0x1a: {  	[sflag:s10] =	ssyncadd.s32 $0xFFFFE000  }
0x1b: {  	[bflag:$0x0] =	sbarrier.arrive $0xFFFF  }
0x1c: {  	[tilespmem:s11], [sflag:$0x1] =	stream.indirect.gather [spmem:s1], $0x40, s2, s13, $0xb8;
	[tilespmem:$0x16000] =	vst v63  }
0x1d: {  	_ =	swait.ge [sflag:s12], $0x2000  }
0x1e: {  	[sflag:s12] =	ssyncset.done $0x0  }
0x1f: {  	[sflag:s12] =	ssyncadd.s32 $0xFFFFE000  }
0x20: {  	[tilespmem:s14], [sflag:$0x2] =	stream.indirect.gather [spmem:s1], $0x40, s13, s13, $0xb8;
	[tilespmem:$0x16000] =	vst v63  }
0x21: {  	s31 =	sadd.s32 $0x0, s8  }
0x22: {  	[hbm4b:s31+s2] =	stream.linear.scatter [tilespmem:s11], [sflag:$0x3], $0x2000, $0x38;
	[tilespmem:$0x16000] =	vst v63  }
0x23: {  	_ =	swait.ge [sflag:s10], $0x2000  }
0x24: {  	[sflag:s10] =	ssyncset.done $0x0  }
0x25: {  	[sflag:s10] =	ssyncadd.s32 $0xFFFFE000  }
0x26: {  	_ =	swait.ge [sflag:s15], $0x2000  }
0x27: {  	[sflag:s15] =	ssyncset.done $0x0  }
0x28: {  	s19 =	simm.s32 $0x100;
	[sflag:s15] =	ssyncadd.s32 $0xFFFFE000  }
0x29: {  	[tilespmem:s11], [sflag:$0x1] =	stream.indirect.gather [spmem:s1], $0x40, s19, s13, $0xb8;
	[tilespmem:$0x16000] =	vst v63  }
0x2a: {  	s18 =	sadd.s32 $0x400, s31  }
0x2b: {  	[hbm4b:s18+s2] =	stream.linear.scatter [tilespmem:s14], [sflag:$0x3], $0x2000, $0x38;
	[tilespmem:$0x16000] =	vst v63  }
0x2c: {  	_ =	swait.ge [sflag:s10], $0x2000  }
0x2d: {  	s19 =	simm.s32 $0x80;
	s18 =	simm.s32 $0x800;
	[sflag:s10] =	ssyncset.done $0x0  }
.LBB2_2:
0x2e: {  	p1 =	sne.s32 s18, $0xF000;
	[sflag:s10] =	ssyncadd.s32 $0xFFFFE000;
	s19 =	sadd.s32 $0x100, s19  }
0x2f: {  	s20 =	smov.u32 s18;
	s18 =	sadd.s32 $0x800, s18  }
0x30: {  	_ =	swait.ge [sflag:s12], $0x2000  }
0x31: {  	[sflag:s12] =	ssyncset.done $0x0  }
0x32: {  	[sflag:s12] =	ssyncadd.s32 $0xFFFFE000  }
0x33: {  	[tilespmem:s14], [sflag:$0x2] =	stream.indirect.gather [spmem:s1], $0x40, s19, s13, $0xb8;
	[tilespmem:$0x16000] =	vst v63  }
0x34: {  	s20 =	sadd.s32 s20, s8  }
0x35: {  	[hbm4b:s20+s2] =	stream.linear.scatter [tilespmem:s11], [sflag:$0x3], $0x2000, $0x38;
	[tilespmem:$0x16000] =	vst v63  }
0x36: {  	_ =	swait.ge [sflag:s10], $0x2000  }
0x37: {  	[sflag:s10] =	ssyncset.done $0x0  }
0x38: {  	[sflag:s10] =	ssyncadd.s32 $0xFFFFE000  }
0x39: {  	_ =	swait.ge [sflag:s15], $0x2000  }
0x3a: {  	[sflag:s15] =	ssyncset.done $0x0  }
0x3b: {  	s21 =	sadd.s32 $0x80, s19;
	[sflag:s15] =	ssyncadd.s32 $0xFFFFE000  }
0x3c: {  	[tilespmem:s11], [sflag:$0x1] =	stream.indirect.gather [spmem:s1], $0x40, s21, s13, $0xb8;
	[tilespmem:$0x16000] =	vst v63  }
.Ltmp0:
0x3d: {  	_ = 	snop;
	(pc) =	sbr.rel @p1 .LBB2_2-.Ltmp0, $4  }
0x3e: {  	s20 =	sadd.s32 $0x400, s20  }
0x3f: {  	[hbm4b:s20+s2] =	stream.linear.scatter [tilespmem:s14], [sflag:$0x3], $0x2000, $0x38;
	[tilespmem:$0x16000] =	vst v63  }
0x40: {  	_ =	swait.ge [sflag:s10], $0x2000  }
0x41: {  	[sflag:s10] =	ssyncset.done $0x0  }
0x42: {  	[sflag:s10] =	ssyncadd.s32 $0xFFFFE000  }
0x43: {  	_ =	swait.ge [sflag:s12], $0x2000  }
0x44: {  	[sflag:s12] =	ssyncset.done $0x0  }
0x45: {  	[sflag:s12] =	ssyncadd.s32 $0xFFFFE000  }
0x46: {  	[tilespmem:s14], [sflag:$0x2] =	stream.indirect.gather [spmem:s1], $0x40, s16, s13, $0xb8;
	[tilespmem:$0x16000] =	vst v63  }
0x47: {  	_ = 	snop  }
0x48: {  	[hbm4b:s6+s2] =	stream.linear.scatter [tilespmem:s11], [sflag:$0x3], $0x2000, $0x38;
	[tilespmem:$0x16000] =	vst v63  }
0x49: {  	_ =	swait.ge [sflag:s10], $0x2000  }
0x4a: {  	[sflag:s10] =	ssyncset.done $0x0  }
0x4b: {  	[sflag:s10] =	ssyncadd.s32 $0xFFFFE000  }
0x4c: {  	s17 =	sadd.s32 $0x1, s17;
	_ =	swait.ge [sflag:s15], $0x2000  }
0x4d: {  	p1 =	sne.s32 s17, s5;
	[sflag:s15] =	ssyncset.done $0x0  }
.Ltmp1:
0x4e: {  	[sflag:s15] =	ssyncadd.s32 $0xFFFFE000;
	(pc) =	sbr.rel @p1 .LBB2_1-.Ltmp1, $4  }
0x4f: {  	[hbm4b:s7+s2] =	stream.linear.scatter [tilespmem:s14], [sflag:$0x3], $0x2000, $0x38;
	[tilespmem:$0x16000] =	vst v63  }
0x50: {  	_ =	swait.ge [sflag:s10], $0x2000  }
0x51: {  	[sflag:s10] =	ssyncset.done $0x0  }
0x52: {  	[sflag:s10] =	ssyncadd.s32 $0xFFFFE000  }
0x53: {  	_ =	sfence.sel $0x180000  }
0x54: {  	[bflag:$0x0] =	sbarrier.arrive $0xFFFF  }
0x55: {  	_ =	strace $0x90000047  }
0x56: {  	s0 =	sadd.s32 @!p0 $0x100000, s0;
	[bflag:$0x2] =	sbarrier.arrive $0xFFFF  }
0x57: {  	[sflag:s0] =	ssyncadd.tile.s32 @!p0 $0x1;
	_ =	shalt  }
.Lfunc_end2:
_tile_overlayer_lowered:
.L_overlay_start_2:
0x58: {  	(tag) =	ssettag $0x2  }
0x59: {  	s0 =	rddreg [dreg:$0x0];
	s2 =	stileid.u32  }
0x5a: {  	s1 =	rddreg [dreg:$0x1];
	p0 =	sne.s32 s2, $0x0  }
0x5b: {  	s3 =	rddreg [dreg:$0x2];
	[bflag:$0x3] =	sbarrier.arrive $0xFFFF;
	s2 =	simm.s32 @!p0 $0x1C03  }
0x5c: {  	[timem:s3], [sflag:s2] =	dma.local @!p0 [hbm:s0], s1  }
0x5d: {  	s0 =	simm.s32 @!p0 $0x3  }
0x5e: {  	_ =	swait.ge @!p0 [sflag:s0], s1  }
0x5f: {  	s1 =	ssub.s32 @!p0 $0x0, s1;
	[sflag:s0] =	ssyncset.done @!p0 $0x0  }
0x60: {  	[sflag:s0] =	ssyncadd.s32 @!p0 s1  }
0x61: {  	[bflag:$0x3] =	sbarrier.arrive $0xFFFF  }
0x62: {  	_ =	shalt  }

// kernel: sparse-core-data-format-call.cloned.1.call-start
scs
called_computation_lowered:
.L_overlay_start_0:
0x0: {  	s2 =	sld [smem:$0x3FD9]  }
0x1: {  	s3 =	sld [smem:$0x3FFE];
	_ =	sdelay $0x1  }
0x2: {  	s1 =	srdreg.scid  }
0x3: {  	s0 =	sand.u32 $0x1, s1  }
0x4: {  	s15 =	sshll.u32 s0, $0xA;
	s2 =	sadd.s32 s3, s2  }
0x5: {  	s2 =	sadd.s32 s2, s15  }
0x6: {  	[smem:$0x3FC6] =	sst s2  }
0x7: {  	_ = 	snop  }
0x8: {  	s2 =	sld [smem:$0x3FD0];
	_ =	sdelay $0x2  }
0x9: {  	s16 =	simm.s32 $0xA;
	s4 =	simm.s32 $0x10  }
0xa: {  	[smem:s4], [sflag:s16] =	dma.local [hbm:s2], $0x1  }
0xb: {  	_ =	swait.eq [sflag:s16], $0x1  }
0xc: {  	[sflag:s16] =	ssyncset.done $0x0  }
0xd: {  	[sflag:s16] =	ssyncadd.s32 $0xFFFFFFFF  }
0xe: {  	s17 =	sld [smem:$0x11];
	(tm) =	ssettm $0x1  }
0xf: {  	s18 =	sld [smem:$0x3FFB];
	_ =	sdelay $0x3  }
0x10: {  	_ =	strace s18  }
0x11: {  	s3 =	sld [smem:$0x3FFC];
	_ =	sdelay $0x3  }
0x12: {  	_ =	strace s3  }
0x13: {  	s3 =	sld [smem:$0x3FFD];
	_ =	sdelay $0x3  }
0x14: {  	_ =	strace s3  }
0x15: {  	_ =	strace $0x8FFFFFFF  }
0x16: {  	s19 =	sld [smem:$0x3FDB];
	_ =	sdelay $0x1  }
0x17: {  	s20 =	simm.s32 $_scs_section_size  }
0x18: {  	s5 =	simm.s32 $_size__tile_overlayer_lowered;
	s6 =	simm.s32 $_tile_overlayer_lowered  }
0x19: {  	s23 =	simm.s32 $0x1BFF;
	s22 =	sshll.u32 s6, $0x1;
	s3 =	sadd.s32 s20, s19  }
0x1a: {  	s7 =	simm.s32 $0x0;
	s21 =	sshll.u32 s5, $0x1;
	s5 =	sadd.s32 s22, s3  }
0x1b: {  	[timem:s7], [sflag:s23] =	dma.local [hbm:s5], s21  }
0x1c: {  	_ =	swait.ge [sflag:s23], s21  }
0x1d: {  	s4 =	ssub.s32 $0x0, s21;
	[sflag:s23] =	ssyncset.done $0x0  }
0x1e: {  	[sflag:s23] =	ssyncadd.s32 s4;
	_ =	sdelay $0x1  }
0x1f: {  	s24 =	simm.s32 $0x1B8B  }
0x20: {  	_ =	swait.ge [sflag:s24], $0x1  }
0x21: {  	[sflag:s24] =	ssyncset.done $0x0  }
0x22: {  	s26 =	simm.s32 $0x1B8E;
	s25 =	sld [smem:$0x3FFE];
	[sflag:s24] =	ssyncadd.s32 $0xFFFFFFFF  }
0x23: {  	s27 =	simm.s32 $execute0_lowered;
	[smem:$0x3FD2] =	sst s26  }
0x24: {  	s5 =	sshll.u32 s27, $0x1;
	_ =	strace $0x80000049;
	[dreg:$0x1] =	wrdreg $0xFFFFFFFF  }
0x25: {  	s28 =	simm.s32 $_size_execute0_lowered;
	s3 =	sadd.s32 s3, s5;
	[dreg:$0x0] =	wrdreg $0x0  }
0x26: {  	s5 =	sshll.u32 s28, $0x1;
	[dreg:$0x2] =	wrdreg s3  }
0x27: {  	[dreg:$0x3] =	wrdreg s5  }
0x28: {  	[dreg:$0x4] =	wrdreg $0xC0  }
0x29: {  	_ =	task [dreg:s7], $0x5FFFF  }
0x2a: {  	[dreg:$0x1] =	wrdreg $0xFFFFFFFF  }
0x2b: {  	[dreg:$0x0] =	wrdreg $0x60  }
0x2c: {  	[dreg:$0x2] =	wrdreg s25  }
0x2d: {  	[dreg:$0x3] =	wrdreg s17  }
0x2e: {  	[dreg:$0x4] =	wrdreg $0x9  }
0x2f: {  	_ =	task.clear_ibuf [dreg:s7], $0x5FFFF;
	_ =	strace $0x90000049  }
0x30: {  	s29 =	simm.s32 $0x9;
	_ =	strace $0x8000004B  }
0x31: {  	_ =	swait.ge [sflag:s29], $0x1  }
0x32: {  	[sflag:s29] =	ssyncadd.s32 $0xFFFFFFFF  }
0x33: {  	_ =	strace $0x9000004B  }
0x34: {  	_ =	sfence  }
0x35: {  	s30 =	sld [smem:$0x0];
	_ =	sdelay $0x2  }
0x36: {  	s31 =	sshll.u32 s1, $0xD;
	s1 =	sshrl.u32 s1, $0x2  }
0x37: {  	s3 =	sand.u32 $0x4000, s31;
	s1 =	sadd.s32 s1, s30  }
0x38: {  	s0 =	sor.u32 s3, s0;
	s1 =	sshll.u32 s1, $0x11  }
0x39: {  	s0 =	sor.u32 s1, s0  }
0x3a: {  	s0 =	sadd.s32 $0x8F2B, s0  }
0x3b: {  	[sflag:s0] =	ssyncadd.remote.s32 $0x1  }
0x3c: {  	_ =	sfence.sel $0xFFFF  }
0x3d: {  	[dreg:$0x0] =	wrdreg $0xFFFFFFFF;
	(pc) =	sbr.abs _section_cstart, $3  }
0x3e: {  	[dreg:$0x1] =	wrdreg $0xFFFFFFFF  }
0x3f: {  	_ =	task.clear_ibuf [dreg:s7], $0x2FFFF;
	_ =	strace $0x9FFFFFFF  }
0x40: {  	(tm) =	ssettm $0x7FFFFFFF  }
0x41: {  	_ =	shalt  }
tec
execute0_lowered:
.L_overlay_start_1:
0x0: {  	(tag) =	ssettag $0x1  }
0x1: {  	s0 =	stileid.u32;
	s4 =	rddreg [dreg:$0x0]  }
0x2: {  	s1 =	srdreg.scid;
	s3 =	rddreg [dreg:$0x1];
	s7 =	simm.s32 $0x1  }
0x3: {  	s31 =	simm.s32 $0x2;
	s2 =	sshll.u32 s0, $0x5;
	s1 =	sshll.u32 s1, $0x9  }
0x4: {  	s14 =	simm.s32 $0x0;
	s9 =	simm.s32 $0x8000;
	s1 =	sor.u32 s2, s1  }
0x5: {  	s15 =	simm.s32 $0x0;
	s16 =	simm.s32 $0x0;
	s2 =	sand.u32 $0x380, s1  }
0x6: {  	s10 =	simm.s32 $0x0;
	s13 =	simm.s32 $0x0;
	s5 =	ssub.s32 $0x1000, s2  }
0x7: {  	s4 =	sadd.s32 $0x61000, s4;
	s1 =	rddreg [dreg:$0x2];
	s6 =	sand.u32 $0x380, s5  }
.Ltmp0:
0x8: {  	_ =	strace $0x8000004A;
	p0 =	sne.s32 s6, $0x0;
	(pc) =	sbr.rel .LBB1_1-.Ltmp0, $4  }
0x9: {  	s11 =	smov.u32 s2;
	s8 =	sshrl.u32 s5, $0xA;
	s7 =	simm.s32 @!p0 $0x0  }
0xa: {  	s5 =	sand.u32 $0x3, s0;
	s6 =	simm.s32 $0x1;
	s7 =	sadd.s32 s7, s8  }
0xb: {  	s12 =	smov.u32 s5;
	[sflag:s6] =	ssyncpa.u1 $0x0;
	s7 =	sshll.u32 s7, $0x4  }
0xc: {  	p0 =	por $0x0, $0x0;
	[sflag:s31] =	ssyncpa.u1 $0x0;
	s8 =	sor.u32 $0x1, s7  }
.LBB1_4:
0xd: {  	s19 =	sshll.u32 s15, $0x3  }
0xe: {  	s20 =	sand.u32 $0x78, s15;
	s16 =	sshll.u32 s16, $0x13;
	s30 =	sand.u32 $0x7E00, s15  }
0xf: {  	s14 =	sshll.u32 s14, $0xF;
	s19 =	sand.u32 $0xC00, s19;
	s16 =	sadd.s32 s3, s16  }
0x10: {  	[tilespmem:s18+$0x810 ss:$0x81] =	vst.msk $0xffff, v2;
	s31 =	sand.u32 $0x7, s15;
	s19 =	sor.u32 s20, s19;
	s16 =	sadd.s32 s30, s16  }
0x11: {  	[tilespmem:s18+$0x1020 ss:$0x81] =	vst.msk $0xffff, v0;
	s15 =	sshll.u32 s31, $0x12;
	s19 =	sshrl.u32 s19, $0x3;
	s14 =	sadd.s32 s14, s16  }
0x12: {  	[tilespmem:s18+$0x0 ss:$0x81] =	vst.msk $0xffff, v1;
	s15 =	sor.u32 $0x400, s15;
	s14 =	sadd.s32 s19, s14  }
0x13: {  	[hbm4b:s14+s15] =	stream.strided.scatter [tilespmem:s17], [sflag:$0x2], $0x2000, s9, s15, $0x20;
	[tilespmem:$0x8080] =	vst v63  }
.LBB1_5:
0x14: {  	s17 =	sadd.s32 $0x1, s10  }
0x15: {  	s14 =	sadd.s32 $0x400, s11;
	s18 =	smov.u32 s11;
	p2 =	sgt.s32 s17, $0xF  }
0x16: {  	s18 =	smov.u32 @p2 s14  }
0x17: {  	s20 =	smov.u32 s12;
	s14 =	sadd.s32 $0x4, s12;
	p3 =	sgt.s32 s18, $0xFFF  }
0x18: {  	s20 =	smov.u32 @p3 s14  }
0x19: {  	s17 =	simm.s32 @p2 $0x0;
	p2 =	sgt.s32 s20, $0x3  }
0x1a: {  	p1 =	slt.u32 s13, $0x2;
	s20 =	smov.u32 @p2 s5;
	p2 =	sne.s32 s13, s8  }
.Ltmp1:
0x1b: {  	s19 =	simm.s32 @!p1 $0x2;
	(pc) =	sbr.rel @!p2 .LBB1_6-.Ltmp1, $4  }
0x1c: {  	s15 =	smov.u32 s11;
	s16 =	smov.u32 s12;
	_ =	swait.ge @!p1 [sflag:s19], $0x2000  }
0x1d: {  	p0 =	por !p0, !p0;
	[sflag:s19] =	ssyncset.done @!p1 $0x0;
	s18 =	smov.u32 @p3 s2  }
0x1e: {  	s14 =	smov.u32 s10;
	[sflag:s19] =	ssyncadd.s32 @!p1 $0xFFFFE000;
	s10 =	smov.u32 s17  }
0x1f: {  	s11 =	smov.u32 s18;
	s13 =	sadd.s32 $0x1, s13;
	s12 =	smov.u32 s20  }
.LBB1_1:
0x20: {  	p1 =	sge.u32 s13, s7;
	s31 =	sadd.s32 $0xFFFFFFFF, s13  }
0x21: {  	s17 =	sxor.u32 @!p1 $0xFFFFFFFF, s13;
	s18 =	sshll.u32 @!p1 s12, $0x14;
	s19 =	sshll.u32 @!p1 s11, $0x8  }
0x22: {  	s20 =	sshll.u32 @!p1 s10, $0x4;
	s17 =	sshll.u32 @!p1 s17, $0xD;
	s18 =	sadd.s32 @!p1 s4, s18  }
0x23: {  	s20 =	sand.u32 @!p1 $0xF0, s20;
	s17 =	sand.u32 @!p1 $0x2000, s17;
	s18 =	sadd.s32 @!p1 s19, s18  }
0x24: {  	s19 =	simm.s32 @!p1 $0x40;
	s18 =	sadd.s32 @!p1 s20, s18;
	s20 =	simm.s32 @!p1 $0x800  }
0x25: {  	[tilespmem:s17], [sflag:$0x1] =	stream.strided.gather @!p1 [hbm4b:s18+s19], $0x2000, s20, s19, $0x38;
	[tilespmem:$0x8080] =	vst v63  }
0x26: {  	p1 =	sge.u32 s31, s7  }
.Ltmp2:
0x27: {  	_ = 	snop;
	(pc) =	sbr.rel @p1 .LBB1_5-.Ltmp2, $1  }
0x28: {  	_ =	sdelay $0x3  }
0x29: {  	s17 =	simm.s32 $0x1  }
0x2a: {  	_ =	swait.ge [sflag:s6], $0x2000;
	s17 =	simm.s32 @!p0 $0x0  }
0x2b: {  	[sflag:s6] =	ssyncset.done $0x0;
	s18 =	sshll.u32 s17, $0xD  }
0x2c: {  	[sflag:s6] =	ssyncadd.s32 $0xFFFFE000;
	s21 =	sor.u32 $0x20, s18  }
0x2d: {  	s17 =	smul.u32 $0x8100, s17;
	v3 =	vld [tilespmem:s21+$0x10]  }
0x2e: {  	s30 =	sand.u32 $0x1, s13;
	v2 =	vld [tilespmem:s21+$0xFFFFFFF0]  }
0x2f: {  	s18 =	smul.u32 $0x8100, s30;
	s17 =	sshrl.u32 s17, $0x2;
	v0 =	vld [tilespmem:s21+$0x0]  }
0x30: {  	v1 =	vld [tilespmem:s21+$0xFFFFFFE0];
	s19 =	sor.u32 $0x4000, s17  }
0x31: {  	s31 =	sshrl.u32 s18, $0x2;
	s18 =	sadd.s32 $0x0, s19  }
0x32: {  	s20 =	simm.s32 $0x4;
	s21 =	sadd.s32 $0x40, s21;
	s17 =	sor.u32 $0x4000, s31;
	[tilespmem:s18+$0x1830 ss:$0x81] =	vst.msk $0xffff, v3  }
.LBB1_3:
0x33: {  	v3 =	vld [tilespmem:s21+$0x10];
	p1 =	sne.s32 s20, $0x1FC;
	[tilespmem:s18+$0x810 ss:$0x81] =	vst.msk $0xffff, v2;
	s22 =	smov.u32 s20;
	s20 =	sadd.s32 $0x4, s20  }
.Ltmp3:
0x34: {  	v2 =	vld [tilespmem:s21+$0xFFFFFFF0];
	[tilespmem:s18+$0x1020 ss:$0x81] =	vst.msk $0xffff, v0;
	(pc) =	sbr.rel @p1 .LBB1_3-.Ltmp3, $4  }
0x35: {  	v0 =	vld [tilespmem:s21+$0x0];
	[tilespmem:s18+$0x0 ss:$0x81] =	vst.msk $0xffff, v1  }
0x36: {  	s18 =	sshra.s32 s22, $0x2;
	v1 =	vld [tilespmem:s21+$0xFFFFFFE0]  }
0x37: {  	s18 =	sadd.s32 s18, s19  }
0x38: {  	s21 =	sadd.s32 $0x40, s21;
	[tilespmem:s18+$0x1830 ss:$0x81] =	vst.msk $0xffff, v3  }
.Ltmp4:
0x39: {  	_ = 	snop;
	(pc) =	sbr.rel .LBB1_4-.Ltmp4, $1  }
0x3a: {  	_ =	sdelay $0x3  }
.LBB1_6:
0x3b: {  	_ =	sfence.sel $0x180000  }
0x3c: {  	s2 =	simm.s32 $0x1;
	[bflag:$0x0] =	sbarrier.arrive $0xFFFF  }
0x3d: {  	s31 =	simm.s32 $0x2;
	[sflag:s2] =	ssyncpa.u1 $0x1  }
0x3e: {  	[sflag:s31] =	ssyncpa.u1 $0x1  }
0x3f: {  	p0 =	sne.s32 s0, $0x0;
	_ =	strace $0x9000004A  }
0x40: {  	s0 =	sadd.s32 @!p0 $0x100000, s1;
	[bflag:$0x2] =	sbarrier.arrive $0xFFFF  }
0x41: {  	[sflag:s0] =	ssyncadd.tile.s32 @!p0 $0x1;
	_ =	shalt  }
.Lfunc_end1:
_tile_overlayer_lowered:
.L_overlay_start_2:
0x42: {  	(tag) =	ssettag $0x2  }
0x43: {  	s0 =	rddreg [dreg:$0x0];
	s2 =	stileid.u32  }
0x44: {  	s1 =	rddreg [dreg:$0x1];
	p0 =	sne.s32 s2, $0x0  }
0x45: {  	s3 =	rddreg [dreg:$0x2];
	[bflag:$0x3] =	sbarrier.arrive $0xFFFF;
	s2 =	simm.s32 @!p0 $0x1C01  }
0x46: {  	[timem:s3], [sflag:s2] =	dma.local @!p0 [hbm:s0], s1  }
0x47: {  	s0 =	simm.s32 @!p0 $0x1  }
0x48: {  	_ =	swait.ge @!p0 [sflag:s0], s1  }
0x49: {  	s1 =	ssub.s32 @!p0 $0x0, s1;
	[sflag:s0] =	ssyncset.done @!p0 $0x0  }
0x4a: {  	[sflag:s0] =	ssyncadd.s32 @!p0 s1  }
0x4b: {  	[bflag:$0x3] =	sbarrier.arrive $0xFFFF  }
0x4c: {  	_ =	shalt  }

</sc_bundles>
